<compile_context>
chip_gen: v7x
topology: tpu7x:2x2x1
jax: 0.10.2.dev20260603
libtpu: 0.0.44.dev20260713+nightly
codegen_flags: <defaults>
</compile_context>

<pallas_src>
import functools

import jax
import jax.numpy as jnp
from jax import lax
from jax.experimental import pallas as pl
from jax.experimental.pallas import tpu as pltpu
from jax.experimental.pallas import tpu_sc as plsc

_INFO = plsc.get_sparse_core_info()
_NC = _INFO.num_cores
_NS = _INFO.num_subcores
_NW = _NC * _NS

_CHUNK = 128
_NBUF = 8
_LANES = 128


def _emb_body(nchunk, dim, sent_hbm, table_hbm, out_hbm,
              idx_v, table_sh, rows_v, gsem, wsem):
  sid = lax.axis_index("s")
  wid = sid * _NC + lax.axis_index("c")
  per_w = nchunk * _CHUNK
  base = wid * per_w

  @pl.when(sid == 0)
  def _():
    pltpu.sync_copy(table_hbm, table_sh)

  pltpu.sync_copy(sent_hbm.at[pl.ds(wid * nchunk, nchunk)], idx_v)
  plsc.subcore_barrier()

  def start_gather(c, b):
    pltpu.async_copy(table_sh.at[idx_v.at[c]], rows_v.at[b], gsem.at[b])

  def wait_gather(b):
    pltpu.make_async_copy(table_sh.at[idx_v.at[0]], rows_v.at[b],
                          gsem.at[b]).wait()

  def start_write(c, b):
    pltpu.async_copy(rows_v.at[b],
                     out_hbm.at[pl.ds(base + c * _CHUNK, _CHUNK),
                                pl.ds(0, dim)],
                     wsem.at[b])

  def wait_write(b):
    pltpu.make_async_copy(rows_v.at[b],
                          out_hbm.at[pl.ds(base, _CHUNK), pl.ds(0, dim)],
                          wsem.at[b]).wait()

  for b in range(_NBUF):
    start_gather(b, b)

  def group(g, carry):
    for b in range(_NBUF):
      c = g * _NBUF + b
      wait_gather(b)
      start_write(c, b)
    for b in range(_NBUF):
      c = g * _NBUF + b
      wait_write(b)
      n = c + _NBUF

      @pl.when(n < nchunk)
      def _():
        start_gather(n, b)

    return carry

  lax.fori_loop(0, nchunk // _NBUF, group, None)


@jax.jit
def _run(sentence, emb_table):
  bsz, hist = sentence.shape
  vocab, dim = emb_table.shape
  n = bsz * hist
  assert n % (_NW * _CHUNK) == 0
  per_w = n // _NW
  nchunk_w = per_w // _CHUNK
  assert nchunk_w % _NBUF == 0

  sent = sentence.reshape(_NW * nchunk_w, _CHUNK)

  out = pl.kernel(
      functools.partial(_emb_body, nchunk_w, dim),
      out_type=jax.ShapeDtypeStruct((n, _LANES), jnp.float32),
      mesh=plsc.VectorSubcoreMesh(core_axis_name="c", subcore_axis_name="s"),
      compiler_params=pltpu.CompilerParams(use_tc_tiling_on_sc=False),
      scratch_types=[
          pltpu.VMEM((nchunk_w, _CHUNK), jnp.int32),
          pltpu.VMEM_SHARED((vocab, dim), jnp.float32),
          pltpu.VMEM((_NBUF, _CHUNK, dim), jnp.float32),
          pltpu.SemaphoreType.DMA((_NBUF,)),
          pltpu.SemaphoreType.DMA((_NBUF,)),
      ],
  )(sent, emb_table)
  return out[:, :dim].reshape(bsz, hist, dim)


def kernel(sentence, emb_table):
  return _run(sentence, emb_table)

# --- scband reference (transcript-rebuilt; emitter-appended) ---
"""Pipeline reference for scband-vanilla-word-embedding-76665166233953 (READ-ONLY COPY).

The authoritative reference and input builder live on the scoring server;
editing this copy changes nothing except your own understanding.
"""

import jax, jax.numpy as jnp
import numpy as np

VOCAB = 1000
EMBED_DIM = 64
BATCH = 4096
HIST_LEN = 200


def setup_inputs(seed: int = 0) -> dict:
    key = jax.random.key(seed)
    k1, k2 = jax.random.split(key)
    sentence = jax.random.randint(k1, (BATCH, HIST_LEN), 0, VOCAB, dtype=jnp.int32)
    # Learned parameter: embedding table (nn.Embedding default init is N(0, 1))
    emb_table = jax.random.normal(k2, (VOCAB, EMBED_DIM), dtype=jnp.float32)
    return {"sentence": sentence, "emb_table": emb_table}


def reference(sentence, emb_table):
    # Faithful translation: the torch module maps each word to its index via
    # word_to_ix (here indices are given directly) and performs an embedding
    # lookup, returning one row vector of shape (1, embedding_dim) per word.
    # We return the stacked gathered embeddings: [batch, hist_len, embed_dim],
    # which is the dense equivalent of the list of (1, embed_dim) rows.
    out = jnp.take(emb_table, sentence, axis=0)
    return out

if __name__ == "__main__":
    import jax
    _d = setup_inputs()
    print(jax.jit(kernel)(*tuple(_d.values())))

</pallas_src>

<mosaic_0001>
#map = affine_map<(d0, d1) -> (0, 0)>
module attributes {stable_mosaic.version = 14 : i64} {
  func.func @_emb_body(%arg0: i32, %arg1: i32, %arg2: memref<6400x128xi32, #tpu.memory_space<hbm>>, %arg3: memref<1000x64xf32, #tpu.memory_space<hbm>>, %arg4: memref<819200x128xf32, #tpu.memory_space<hbm>>, %arg5: memref<200x128xi32, #tpu.memory_space<vmem>>, %arg6: memref<1000x64xf32, #tpu.memory_space<vmem_shared>>, %arg7: memref<8x128x64xf32, #tpu.memory_space<vmem>>, %arg8: memref<8x!tpu.dma_semaphore, #tpu.memory_space<semaphore_mem>>, %arg9: memref<8x!tpu.dma_semaphore, #tpu.memory_space<semaphore_mem>>) attributes {dimension_semantics = [#tpu.dimension_semantics<core_parallel>, #tpu.dimension_semantics<subcore_parallel>], iteration_bounds = array<i64: 2, 16>, scalar_prefetch = 0 : i64, scratch_operands = 5 : i64, tpu.core_type = #tpu.core_type<sc_vector_subcore>, window_params = [{transform_indices = #map}, {transform_indices = #map}, {transform_indices = #map}]} {
    %mul3A = arith.constant 2 : i32
    %mul3A_0 = arith.muli %arg1, %mul3A : i32
    %add3A = arith.addi %mul3A_0, %arg0 : i32
    %mul3A_1 = arith.constant 25600 : i32
    %mul3A_2 = arith.muli %add3A, %mul3A_1 : i32
    %eq3A = arith.constant 0 : i32
    %eq3A_3 = arith.cmpi eq, %arg1, %eq3A : i32
    %convert_element_type3A = arith.extui %eq3A_3 : i1 to i32
    %cond3A = arith.constant 0 : i32
    %cond3A_4 = arith.cmpi ne, %convert_element_type3A, %cond3A : i32
    scf.if %cond3A_4 {
      "tpu.region"() ({
        %run_scoped3A = tpu.sem_alloc : memref<!tpu.dma_semaphore, #tpu.memory_space<semaphore_mem>>
        tpu.enqueue_dma source(%arg3 : memref<1000x64xf32, #tpu.memory_space<hbm>>) target(%arg6 : memref<1000x64xf32, #tpu.memory_space<vmem_shared>>) target_semaphore(%run_scoped3A : memref<!tpu.dma_semaphore, #tpu.memory_space<semaphore_mem>>)
        tpu.wait_dma2 semaphore(%run_scoped3A : memref<!tpu.dma_semaphore, #tpu.memory_space<semaphore_mem>>) src(%arg3 : memref<1000x64xf32, #tpu.memory_space<hbm>>) dst(%arg6 : memref<1000x64xf32, #tpu.memory_space<vmem_shared>>)
        tpu.yield
      }) : () -> ()
    } else {
    }
    %mul3A_5 = arith.constant 200 : i32
    %mul3A_6 = arith.muli %add3A, %mul3A_5 : i32
    "tpu.region"() ({
      %run_scoped3A = tpu.sem_alloc : memref<!tpu.dma_semaphore, #tpu.memory_space<semaphore_mem>>
      %dma_start3A_130 = arith.constant 0 : i32
      %dma_start3A_131 = tpu.memref_slice %arg2[%mul3A_6, %dma_start3A_130] : memref<6400x128xi32, #tpu.memory_space<hbm>> -> memref<200x128xi32, #tpu.memory_space<hbm>>
      %dma_start3A_132 = arith.constant 0 : i32
      %dma_start3A_133 = tpu.memref_slice %arg2[%mul3A_6, %dma_start3A_132] : memref<6400x128xi32, #tpu.memory_space<hbm>> -> memref<200x128xi32, #tpu.memory_space<hbm>>
      tpu.enqueue_dma source(%dma_start3A_133 : memref<200x128xi32, #tpu.memory_space<hbm>>) target(%arg5 : memref<200x128xi32, #tpu.memory_space<vmem>>) target_semaphore(%run_scoped3A : memref<!tpu.dma_semaphore, #tpu.memory_space<semaphore_mem>>)
      %dma_wait3A = arith.constant 0 : i32
      %dma_wait3A_134 = tpu.memref_slice %arg2[%mul3A_6, %dma_wait3A] : memref<6400x128xi32, #tpu.memory_space<hbm>> -> memref<200x128xi32, #tpu.memory_space<hbm>>
      %dma_wait3A_135 = arith.constant 0 : i32
      %dma_wait3A_136 = tpu.memref_slice %arg2[%mul3A_6, %dma_wait3A_135] : memref<6400x128xi32, #tpu.memory_space<hbm>> -> memref<200x128xi32, #tpu.memory_space<hbm>>
      tpu.wait_dma2 semaphore(%run_scoped3A : memref<!tpu.dma_semaphore, #tpu.memory_space<semaphore_mem>>) src(%dma_wait3A_136 : memref<200x128xi32, #tpu.memory_space<hbm>>) dst(%arg5 : memref<200x128xi32, #tpu.memory_space<vmem>>)
      tpu.yield
    }) : () -> ()
    %barrier3A = arith.constant 0 : index
    tpu.barrier barrier_id(%barrier3A)
    %dma_start3A = arith.constant 0 : i32
    %dma_start3A_7 = arith.constant 0 : i32
    %dma_start3A_8 = arith.constant 0 : i32
    %dma_start3A_9 = arith.constant 0 : i32
    %dma_start3A_10 = arith.constant 0 : i32
    %dma_start3A_11 = tpu.memref_slice %arg7[%dma_start3A_7, %dma_start3A_9, %dma_start3A_10] : memref<8x128x64xf32, #tpu.memory_space<vmem>> -> memref<1x128x64xf32, #tpu.memory_space<vmem>>
    %dma_start3A_12 = tpu.memref_squeeze %dma_start3A_11 : memref<1x128x64xf32, #tpu.memory_space<vmem>> -> memref<128x64xf32, #tpu.memory_space<vmem>>
    %dma_start3A_13 = arith.constant 0 : i32
    %dma_start3A_14 = tpu.memref_slice %arg5[%dma_start3A, %dma_start3A_13] : memref<200x128xi32, #tpu.memory_space<vmem>> -> memref<1x128xi32, #tpu.memory_space<vmem>>
    %dma_start3A_15 = tpu.memref_squeeze %dma_start3A_14 : memref<1x128xi32, #tpu.memory_space<vmem>> -> memref<128xi32, #tpu.memory_space<vmem>>
    %dma_start3A_16 = arith.constant 0 : i32
    %dma_start3A_17 = arith.constant 0 : i32
    %dma_start3A_18 = tpu.memref_slice %arg6[%dma_start3A_16, %dma_start3A_17] : memref<1000x64xf32, #tpu.memory_space<vmem_shared>> -> memref<1000x64xf32, #tpu.memory_space<vmem_shared>>
    %dma_start3A_19 = tpu.memref_slice %arg8[%dma_start3A_8] : memref<8x!tpu.dma_semaphore, #tpu.memory_space<semaphore_mem>> -> memref<1x!tpu.dma_semaphore, #tpu.memory_space<semaphore_mem>>
    %dma_start3A_20 = tpu.memref_squeeze %dma_start3A_19 : memref<1x!tpu.dma_semaphore, #tpu.memory_space<semaphore_mem>> -> memref<!tpu.dma_semaphore, #tpu.memory_space<semaphore_mem>>
    tpu.enqueue_indirect_dma source(%dma_start3A_18 : memref<1000x64xf32, #tpu.memory_space<vmem_shared>>) target(%dma_start3A_12 : memref<128x64xf32, #tpu.memory_space<vmem>>) offsets(%dma_start3A_15 : memref<128xi32, #tpu.memory_space<vmem>>) semaphore(%dma_start3A_20 : memref<!tpu.dma_semaphore, #tpu.memory_space<semaphore_mem>>)
    %dma_start3A_21 = arith.constant 1 : i32
    %dma_start3A_22 = arith.constant 1 : i32
    %dma_start3A_23 = arith.constant 1 : i32
    %dma_start3A_24 = arith.constant 0 : i32
    %dma_start3A_25 = arith.constant 0 : i32
    %dma_start3A_26 = tpu.memref_slice %arg7[%dma_start3A_22, %dma_start3A_24, %dma_start3A_25] : memref<8x128x64xf32, #tpu.memory_space<vmem>> -> memref<1x128x64xf32, #tpu.memory_space<vmem>>
    %dma_start3A_27 = tpu.memref_squeeze %dma_start3A_26 : memref<1x128x64xf32, #tpu.memory_space<vmem>> -> memref<128x64xf32, #tpu.memory_space<vmem>>
    %dma_start3A_28 = arith.constant 0 : i32
    %dma_start3A_29 = tpu.memref_slice %arg5[%dma_start3A_21, %dma_start3A_28] : memref<200x128xi32, #tpu.memory_space<vmem>> -> memref<1x128xi32, #tpu.memory_space<vmem>>
    %dma_start3A_30 = tpu.memref_squeeze %dma_start3A_29 : memref<1x128xi32, #tpu.memory_space<vmem>> -> memref<128xi32, #tpu.memory_space<vmem>>
    %dma_start3A_31 = arith.constant 0 : i32
    %dma_start3A_32 = arith.constant 0 : i32
    %dma_start3A_33 = tpu.memref_slice %arg6[%dma_start3A_31, %dma_start3A_32] : memref<1000x64xf32, #tpu.memory_space<vmem_shared>> -> memref<1000x64xf32, #tpu.memory_space<vmem_shared>>
    %dma_start3A_34 = tpu.memref_slice %arg8[%dma_start3A_23] : memref<8x!tpu.dma_semaphore, #tpu.memory_space<semaphore_mem>> -> memref<1x!tpu.dma_semaphore, #tpu.memory_space<semaphore_mem>>
    %dma_start3A_35 = tpu.memref_squeeze %dma_start3A_34 : memref<1x!tpu.dma_semaphore, #tpu.memory_space<semaphore_mem>> -> memref<!tpu.dma_semaphore, #tpu.memory_space<semaphore_mem>>
    tpu.enqueue_indirect_dma source(%dma_start3A_33 : memref<1000x64xf32, #tpu.memory_space<vmem_shared>>) target(%dma_start3A_27 : memref<128x64xf32, #tpu.memory_space<vmem>>) offsets(%dma_start3A_30 : memref<128xi32, #tpu.memory_space<vmem>>) semaphore(%dma_start3A_35 : memref<!tpu.dma_semaphore, #tpu.memory_space<semaphore_mem>>)
    %dma_start3A_36 = arith.constant 2 : i32
    %dma_start3A_37 = arith.constant 2 : i32
    %dma_start3A_38 = arith.constant 2 : i32
    %dma_start3A_39 = arith.constant 0 : i32
    %dma_start3A_40 = arith.constant 0 : i32
    %dma_start3A_41 = tpu.memref_slice %arg7[%dma_start3A_37, %dma_start3A_39, %dma_start3A_40] : memref<8x128x64xf32, #tpu.memory_space<vmem>> -> memref<1x128x64xf32, #tpu.memory_space<vmem>>
    %dma_start3A_42 = tpu.memref_squeeze %dma_start3A_41 : memref<1x128x64xf32, #tpu.memory_space<vmem>> -> memref<128x64xf32, #tpu.memory_space<vmem>>
    %dma_start3A_43 = arith.constant 0 : i32
    %dma_start3A_44 = tpu.memref_slice %arg5[%dma_start3A_36, %dma_start3A_43] : memref<200x128xi32, #tpu.memory_space<vmem>> -> memref<1x128xi32, #tpu.memory_space<vmem>>
    %dma_start3A_45 = tpu.memref_squeeze %dma_start3A_44 : memref<1x128xi32, #tpu.memory_space<vmem>> -> memref<128xi32, #tpu.memory_space<vmem>>
    %dma_start3A_46 = arith.constant 0 : i32
    %dma_start3A_47 = arith.constant 0 : i32
    %dma_start3A_48 = tpu.memref_slice %arg6[%dma_start3A_46, %dma_start3A_47] : memref<1000x64xf32, #tpu.memory_space<vmem_shared>> -> memref<1000x64xf32, #tpu.memory_space<vmem_shared>>
    %dma_start3A_49 = tpu.memref_slice %arg8[%dma_start3A_38] : memref<8x!tpu.dma_semaphore, #tpu.memory_space<semaphore_mem>> -> memref<1x!tpu.dma_semaphore, #tpu.memory_space<semaphore_mem>>
    %dma_start3A_50 = tpu.memref_squeeze %dma_start3A_49 : memref<1x!tpu.dma_semaphore, #tpu.memory_space<semaphore_mem>> -> memref<!tpu.dma_semaphore, #tpu.memory_space<semaphore_mem>>
    tpu.enqueue_indirect_dma source(%dma_start3A_48 : memref<1000x64xf32, #tpu.memory_space<vmem_shared>>) target(%dma_start3A_42 : memref<128x64xf32, #tpu.memory_space<vmem>>) offsets(%dma_start3A_45 : memref<128xi32, #tpu.memory_space<vmem>>) semaphore(%dma_start3A_50 : memref<!tpu.dma_semaphore, #tpu.memory_space<semaphore_mem>>)
    %dma_start3A_51 = arith.constant 3 : i32
    %dma_start3A_52 = arith.constant 3 : i32
    %dma_start3A_53 = arith.constant 3 : i32
    %dma_start3A_54 = arith.constant 0 : i32
    %dma_start3A_55 = arith.constant 0 : i32
    %dma_start3A_56 = tpu.memref_slice %arg7[%dma_start3A_52, %dma_start3A_54, %dma_start3A_55] : memref<8x128x64xf32, #tpu.memory_space<vmem>> -> memref<1x128x64xf32, #tpu.memory_space<vmem>>
    %dma_start3A_57 = tpu.memref_squeeze %dma_start3A_56 : memref<1x128x64xf32, #tpu.memory_space<vmem>> -> memref<128x64xf32, #tpu.memory_space<vmem>>
    %dma_start3A_58 = arith.constant 0 : i32
    %dma_start3A_59 = tpu.memref_slice %arg5[%dma_start3A_51, %dma_start3A_58] : memref<200x128xi32, #tpu.memory_space<vmem>> -> memref<1x128xi32, #tpu.memory_space<vmem>>
    %dma_start3A_60 = tpu.memref_squeeze %dma_start3A_59 : memref<1x128xi32, #tpu.memory_space<vmem>> -> memref<128xi32, #tpu.memory_space<vmem>>
    %dma_start3A_61 = arith.constant 0 : i32
    %dma_start3A_62 = arith.constant 0 : i32
    %dma_start3A_63 = tpu.memref_slice %arg6[%dma_start3A_61, %dma_start3A_62] : memref<1000x64xf32, #tpu.memory_space<vmem_shared>> -> memref<1000x64xf32, #tpu.memory_space<vmem_shared>>
    %dma_start3A_64 = tpu.memref_slice %arg8[%dma_start3A_53] : memref<8x!tpu.dma_semaphore, #tpu.memory_space<semaphore_mem>> -> memref<1x!tpu.dma_semaphore, #tpu.memory_space<semaphore_mem>>
    %dma_start3A_65 = tpu.memref_squeeze %dma_start3A_64 : memref<1x!tpu.dma_semaphore, #tpu.memory_space<semaphore_mem>> -> memref<!tpu.dma_semaphore, #tpu.memory_space<semaphore_mem>>
    tpu.enqueue_indirect_dma source(%dma_start3A_63 : memref<1000x64xf32, #tpu.memory_space<vmem_shared>>) target(%dma_start3A_57 : memref<128x64xf32, #tpu.memory_space<vmem>>) offsets(%dma_start3A_60 : memref<128xi32, #tpu.memory_space<vmem>>) semaphore(%dma_start3A_65 : memref<!tpu.dma_semaphore, #tpu.memory_space<semaphore_mem>>)
    %dma_start3A_66 = arith.constant 4 : i32
    %dma_start3A_67 = arith.constant 4 : i32
    %dma_start3A_68 = arith.constant 4 : i32
    %dma_start3A_69 = arith.constant 0 : i32
    %dma_start3A_70 = arith.constant 0 : i32
    %dma_start3A_71 = tpu.memref_slice %arg7[%dma_start3A_67, %dma_start3A_69, %dma_start3A_70] : memref<8x128x64xf32, #tpu.memory_space<vmem>> -> memref<1x128x64xf32, #tpu.memory_space<vmem>>
    %dma_start3A_72 = tpu.memref_squeeze %dma_start3A_71 : memref<1x128x64xf32, #tpu.memory_space<vmem>> -> memref<128x64xf32, #tpu.memory_space<vmem>>
    %dma_start3A_73 = arith.constant 0 : i32
    %dma_start3A_74 = tpu.memref_slice %arg5[%dma_start3A_66, %dma_start3A_73] : memref<200x128xi32, #tpu.memory_space<vmem>> -> memref<1x128xi32, #tpu.memory_space<vmem>>
    %dma_start3A_75 = tpu.memref_squeeze %dma_start3A_74 : memref<1x128xi32, #tpu.memory_space<vmem>> -> memref<128xi32, #tpu.memory_space<vmem>>
    %dma_start3A_76 = arith.constant 0 : i32
    %dma_start3A_77 = arith.constant 0 : i32
    %dma_start3A_78 = tpu.memref_slice %arg6[%dma_start3A_76, %dma_start3A_77] : memref<1000x64xf32, #tpu.memory_space<vmem_shared>> -> memref<1000x64xf32, #tpu.memory_space<vmem_shared>>
    %dma_start3A_79 = tpu.memref_slice %arg8[%dma_start3A_68] : memref<8x!tpu.dma_semaphore, #tpu.memory_space<semaphore_mem>> -> memref<1x!tpu.dma_semaphore, #tpu.memory_space<semaphore_mem>>
    %dma_start3A_80 = tpu.memref_squeeze %dma_start3A_79 : memref<1x!tpu.dma_semaphore, #tpu.memory_space<semaphore_mem>> -> memref<!tpu.dma_semaphore, #tpu.memory_space<semaphore_mem>>
    tpu.enqueue_indirect_dma source(%dma_start3A_78 : memref<1000x64xf32, #tpu.memory_space<vmem_shared>>) target(%dma_start3A_72 : memref<128x64xf32, #tpu.memory_space<vmem>>) offsets(%dma_start3A_75 : memref<128xi32, #tpu.memory_space<vmem>>) semaphore(%dma_start3A_80 : memref<!tpu.dma_semaphore, #tpu.memory_space<semaphore_mem>>)
    %dma_start3A_81 = arith.constant 5 : i32
    %dma_start3A_82 = arith.constant 5 : i32
    %dma_start3A_83 = arith.constant 5 : i32
    %dma_start3A_84 = arith.constant 0 : i32
    %dma_start3A_85 = arith.constant 0 : i32
    %dma_start3A_86 = tpu.memref_slice %arg7[%dma_start3A_82, %dma_start3A_84, %dma_start3A_85] : memref<8x128x64xf32, #tpu.memory_space<vmem>> -> memref<1x128x64xf32, #tpu.memory_space<vmem>>
    %dma_start3A_87 = tpu.memref_squeeze %dma_start3A_86 : memref<1x128x64xf32, #tpu.memory_space<vmem>> -> memref<128x64xf32, #tpu.memory_space<vmem>>
    %dma_start3A_88 = arith.constant 0 : i32
    %dma_start3A_89 = tpu.memref_slice %arg5[%dma_start3A_81, %dma_start3A_88] : memref<200x128xi32, #tpu.memory_space<vmem>> -> memref<1x128xi32, #tpu.memory_space<vmem>>
    %dma_start3A_90 = tpu.memref_squeeze %dma_start3A_89 : memref<1x128xi32, #tpu.memory_space<vmem>> -> memref<128xi32, #tpu.memory_space<vmem>>
    %dma_start3A_91 = arith.constant 0 : i32
    %dma_start3A_92 = arith.constant 0 : i32
    %dma_start3A_93 = tpu.memref_slice %arg6[%dma_start3A_91, %dma_start3A_92] : memref<1000x64xf32, #tpu.memory_space<vmem_shared>> -> memref<1000x64xf32, #tpu.memory_space<vmem_shared>>
    %dma_start3A_94 = tpu.memref_slice %arg8[%dma_start3A_83] : memref<8x!tpu.dma_semaphore, #tpu.memory_space<semaphore_mem>> -> memref<1x!tpu.dma_semaphore, #tpu.memory_space<semaphore_mem>>
    %dma_start3A_95 = tpu.memref_squeeze %dma_start3A_94 : memref<1x!tpu.dma_semaphore, #tpu.memory_space<semaphore_mem>> -> memref<!tpu.dma_semaphore, #tpu.memory_space<semaphore_mem>>
    tpu.enqueue_indirect_dma source(%dma_start3A_93 : memref<1000x64xf32, #tpu.memory_space<vmem_shared>>) target(%dma_start3A_87 : memref<128x64xf32, #tpu.memory_space<vmem>>) offsets(%dma_start3A_90 : memref<128xi32, #tpu.memory_space<vmem>>) semaphore(%dma_start3A_95 : memref<!tpu.dma_semaphore, #tpu.memory_space<semaphore_mem>>)
    %dma_start3A_96 = arith.constant 6 : i32
    %dma_start3A_97 = arith.constant 6 : i32
    %dma_start3A_98 = arith.constant 6 : i32
    %dma_start3A_99 = arith.constant 0 : i32
    %dma_start3A_100 = arith.constant 0 : i32
    %dma_start3A_101 = tpu.memref_slice %arg7[%dma_start3A_97, %dma_start3A_99, %dma_start3A_100] : memref<8x128x64xf32, #tpu.memory_space<vmem>> -> memref<1x128x64xf32, #tpu.memory_space<vmem>>
    %dma_start3A_102 = tpu.memref_squeeze %dma_start3A_101 : memref<1x128x64xf32, #tpu.memory_space<vmem>> -> memref<128x64xf32, #tpu.memory_space<vmem>>
    %dma_start3A_103 = arith.constant 0 : i32
    %dma_start3A_104 = tpu.memref_slice %arg5[%dma_start3A_96, %dma_start3A_103] : memref<200x128xi32, #tpu.memory_space<vmem>> -> memref<1x128xi32, #tpu.memory_space<vmem>>
    %dma_start3A_105 = tpu.memref_squeeze %dma_start3A_104 : memref<1x128xi32, #tpu.memory_space<vmem>> -> memref<128xi32, #tpu.memory_space<vmem>>
    %dma_start3A_106 = arith.constant 0 : i32
    %dma_start3A_107 = arith.constant 0 : i32
    %dma_start3A_108 = tpu.memref_slice %arg6[%dma_start3A_106, %dma_start3A_107] : memref<1000x64xf32, #tpu.memory_space<vmem_shared>> -> memref<1000x64xf32, #tpu.memory_space<vmem_shared>>
    %dma_start3A_109 = tpu.memref_slice %arg8[%dma_start3A_98] : memref<8x!tpu.dma_semaphore, #tpu.memory_space<semaphore_mem>> -> memref<1x!tpu.dma_semaphore, #tpu.memory_space<semaphore_mem>>
    %dma_start3A_110 = tpu.memref_squeeze %dma_start3A_109 : memref<1x!tpu.dma_semaphore, #tpu.memory_space<semaphore_mem>> -> memref<!tpu.dma_semaphore, #tpu.memory_space<semaphore_mem>>
    tpu.enqueue_indirect_dma source(%dma_start3A_108 : memref<1000x64xf32, #tpu.memory_space<vmem_shared>>) target(%dma_start3A_102 : memref<128x64xf32, #tpu.memory_space<vmem>>) offsets(%dma_start3A_105 : memref<128xi32, #tpu.memory_space<vmem>>) semaphore(%dma_start3A_110 : memref<!tpu.dma_semaphore, #tpu.memory_space<semaphore_mem>>)
    %dma_start3A_111 = arith.constant 7 : i32
    %dma_start3A_112 = arith.constant 7 : i32
    %dma_start3A_113 = arith.constant 7 : i32
    %dma_start3A_114 = arith.constant 0 : i32
    %dma_start3A_115 = arith.constant 0 : i32
    %dma_start3A_116 = tpu.memref_slice %arg7[%dma_start3A_112, %dma_start3A_114, %dma_start3A_115] : memref<8x128x64xf32, #tpu.memory_space<vmem>> -> memref<1x128x64xf32, #tpu.memory_space<vmem>>
    %dma_start3A_117 = tpu.memref_squeeze %dma_start3A_116 : memref<1x128x64xf32, #tpu.memory_space<vmem>> -> memref<128x64xf32, #tpu.memory_space<vmem>>
    %dma_start3A_118 = arith.constant 0 : i32
    %dma_start3A_119 = tpu.memref_slice %arg5[%dma_start3A_111, %dma_start3A_118] : memref<200x128xi32, #tpu.memory_space<vmem>> -> memref<1x128xi32, #tpu.memory_space<vmem>>
    %dma_start3A_120 = tpu.memref_squeeze %dma_start3A_119 : memref<1x128xi32, #tpu.memory_space<vmem>> -> memref<128xi32, #tpu.memory_space<vmem>>
    %dma_start3A_121 = arith.constant 0 : i32
    %dma_start3A_122 = arith.constant 0 : i32
    %dma_start3A_123 = tpu.memref_slice %arg6[%dma_start3A_121, %dma_start3A_122] : memref<1000x64xf32, #tpu.memory_space<vmem_shared>> -> memref<1000x64xf32, #tpu.memory_space<vmem_shared>>
    %dma_start3A_124 = tpu.memref_slice %arg8[%dma_start3A_113] : memref<8x!tpu.dma_semaphore, #tpu.memory_space<semaphore_mem>> -> memref<1x!tpu.dma_semaphore, #tpu.memory_space<semaphore_mem>>
    %dma_start3A_125 = tpu.memref_squeeze %dma_start3A_124 : memref<1x!tpu.dma_semaphore, #tpu.memory_space<semaphore_mem>> -> memref<!tpu.dma_semaphore, #tpu.memory_space<semaphore_mem>>
    tpu.enqueue_indirect_dma source(%dma_start3A_123 : memref<1000x64xf32, #tpu.memory_space<vmem_shared>>) target(%dma_start3A_117 : memref<128x64xf32, #tpu.memory_space<vmem>>) offsets(%dma_start3A_120 : memref<128xi32, #tpu.memory_space<vmem>>) semaphore(%dma_start3A_125 : memref<!tpu.dma_semaphore, #tpu.memory_space<semaphore_mem>>)
    %scan3A = arith.constant 0 : i32
    %scan3A_126 = arith.constant 25 : i32
    %scan3A_127 = arith.addi %scan3A, %scan3A_126 : i32
    %scan3A_128 = arith.constant 1 : i32
    scf.for %scan3A_130 = %scan3A to %scan3A_127 step %scan3A_128  : i32 {
      %mul3A_131 = arith.constant 8 : i32
      %mul3A_132 = arith.muli %scan3A_130, %mul3A_131 : i32
      %add3A_133 = arith.constant 0 : i32
      %add3A_134 = arith.addi %mul3A_132, %add3A_133 : i32
      %dma_wait3A = arith.constant 0 : i32
      %dma_wait3A_135 = arith.constant 0 : i32
      %dma_wait3A_136 = arith.constant 0 : i32
      %dma_wait3A_137 = arith.constant 0 : i32
      %dma_wait3A_138 = arith.constant 0 : i32
      %dma_wait3A_139 = tpu.memref_slice %arg7[%dma_wait3A_135, %dma_wait3A_137, %dma_wait3A_138] : memref<8x128x64xf32, #tpu.memory_space<vmem>> -> memref<1x128x64xf32, #tpu.memory_space<vmem>>
      %dma_wait3A_140 = tpu.memref_squeeze %dma_wait3A_139 : memref<1x128x64xf32, #tpu.memory_space<vmem>> -> memref<128x64xf32, #tpu.memory_space<vmem>>
      %dma_wait3A_141 = arith.constant 0 : i32
      %dma_wait3A_142 = tpu.memref_slice %arg5[%dma_wait3A, %dma_wait3A_141] : memref<200x128xi32, #tpu.memory_space<vmem>> -> memref<1x128xi32, #tpu.memory_space<vmem>>
      %dma_wait3A_143 = tpu.memref_squeeze %dma_wait3A_142 : memref<1x128xi32, #tpu.memory_space<vmem>> -> memref<128xi32, #tpu.memory_space<vmem>>
      %dma_wait3A_144 = arith.constant 0 : i32
      %dma_wait3A_145 = arith.constant 0 : i32
      %dma_wait3A_146 = tpu.memref_slice %arg6[%dma_wait3A_144, %dma_wait3A_145] : memref<1000x64xf32, #tpu.memory_space<vmem_shared>> -> memref<1000x64xf32, #tpu.memory_space<vmem_shared>>
      %dma_wait3A_147 = tpu.memref_slice %arg8[%dma_wait3A_136] : memref<8x!tpu.dma_semaphore, #tpu.memory_space<semaphore_mem>> -> memref<1x!tpu.dma_semaphore, #tpu.memory_space<semaphore_mem>>
      %dma_wait3A_148 = tpu.memref_squeeze %dma_wait3A_147 : memref<1x!tpu.dma_semaphore, #tpu.memory_space<semaphore_mem>> -> memref<!tpu.dma_semaphore, #tpu.memory_space<semaphore_mem>>
      tpu.wait_indirect_dma semaphore(%dma_wait3A_148 : memref<!tpu.dma_semaphore, #tpu.memory_space<semaphore_mem>>) src(%dma_wait3A_146 : memref<1000x64xf32, #tpu.memory_space<vmem_shared>>) dst(%dma_wait3A_140 : memref<128x64xf32, #tpu.memory_space<vmem>>)
      %mul3A_149 = arith.constant 128 : i32
      %mul3A_150 = arith.muli %add3A_134, %mul3A_149 : i32
      %add3A_151 = arith.addi %mul3A_2, %mul3A_150 : i32
      %dma_start3A_152 = arith.constant 0 : i32
      %dma_start3A_153 = arith.constant 0 : i32
      %dma_start3A_154 = arith.constant 0 : i32
      %dma_start3A_155 = arith.constant 0 : i32
      %dma_start3A_156 = tpu.memref_slice %arg7[%dma_start3A_152, %dma_start3A_154, %dma_start3A_155] : memref<8x128x64xf32, #tpu.memory_space<vmem>> -> memref<1x128x64xf32, #tpu.memory_space<vmem>>
      %dma_start3A_157 = tpu.memref_squeeze %dma_start3A_156 : memref<1x128x64xf32, #tpu.memory_space<vmem>> -> memref<128x64xf32, #tpu.memory_space<vmem>>
      %dma_start3A_158 = arith.constant 0 : i32
      %dma_start3A_159 = tpu.memref_slice %arg4[%add3A_151, %dma_start3A_158] : memref<819200x128xf32, #tpu.memory_space<hbm>> -> memref<128x64xf32, #tpu.memory_space<hbm>>
      %dma_start3A_160 = tpu.memref_slice %arg9[%dma_start3A_153] : memref<8x!tpu.dma_semaphore, #tpu.memory_space<semaphore_mem>> -> memref<1x!tpu.dma_semaphore, #tpu.memory_space<semaphore_mem>>
      %dma_start3A_161 = tpu.memref_squeeze %dma_start3A_160 : memref<1x!tpu.dma_semaphore, #tpu.memory_space<semaphore_mem>> -> memref<!tpu.dma_semaphore, #tpu.memory_space<semaphore_mem>>
      %dma_start3A_162 = arith.constant 0 : i32
      %dma_start3A_163 = tpu.memref_slice %arg4[%add3A_151, %dma_start3A_162] : memref<819200x128xf32, #tpu.memory_space<hbm>> -> memref<128x64xf32, #tpu.memory_space<hbm>>
      %dma_start3A_164 = arith.constant 0 : i32
      %dma_start3A_165 = arith.constant 0 : i32
      %dma_start3A_166 = tpu.memref_slice %arg7[%dma_start3A_152, %dma_start3A_164, %dma_start3A_165] : memref<8x128x64xf32, #tpu.memory_space<vmem>> -> memref<1x128x64xf32, #tpu.memory_space<vmem>>
      %dma_start3A_167 = tpu.memref_squeeze %dma_start3A_166 : memref<1x128x64xf32, #tpu.memory_space<vmem>> -> memref<128x64xf32, #tpu.memory_space<vmem>>
      tpu.enqueue_dma source(%dma_start3A_167 : memref<128x64xf32, #tpu.memory_space<vmem>>) target(%dma_start3A_163 : memref<128x64xf32, #tpu.memory_space<hbm>>) target_semaphore(%dma_start3A_161 : memref<!tpu.dma_semaphore, #tpu.memory_space<semaphore_mem>>)
      %mul3A_168 = arith.constant 8 : i32
      %mul3A_169 = arith.muli %scan3A_130, %mul3A_168 : i32
      %add3A_170 = arith.constant 1 : i32
      %add3A_171 = arith.addi %mul3A_169, %add3A_170 : i32
      %dma_wait3A_172 = arith.constant 0 : i32
      %dma_wait3A_173 = arith.constant 1 : i32
      %dma_wait3A_174 = arith.constant 1 : i32
      %dma_wait3A_175 = arith.constant 0 : i32
      %dma_wait3A_176 = arith.constant 0 : i32
      %dma_wait3A_177 = tpu.memref_slice %arg7[%dma_wait3A_173, %dma_wait3A_175, %dma_wait3A_176] : memref<8x128x64xf32, #tpu.memory_space<vmem>> -> memref<1x128x64xf32, #tpu.memory_space<vmem>>
      %dma_wait3A_178 = tpu.memref_squeeze %dma_wait3A_177 : memref<1x128x64xf32, #tpu.memory_space<vmem>> -> memref<128x64xf32, #tpu.memory_space<vmem>>
      %dma_wait3A_179 = arith.constant 0 : i32
      %dma_wait3A_180 = tpu.memref_slice %arg5[%dma_wait3A_172, %dma_wait3A_179] : memref<200x128xi32, #tpu.memory_space<vmem>> -> memref<1x128xi32, #tpu.memory_space<vmem>>
      %dma_wait3A_181 = tpu.memref_squeeze %dma_wait3A_180 : memref<1x128xi32, #tpu.memory_space<vmem>> -> memref<128xi32, #tpu.memory_space<vmem>>
      %dma_wait3A_182 = arith.constant 0 : i32
      %dma_wait3A_183 = arith.constant 0 : i32
      %dma_wait3A_184 = tpu.memref_slice %arg6[%dma_wait3A_182, %dma_wait3A_183] : memref<1000x64xf32, #tpu.memory_space<vmem_shared>> -> memref<1000x64xf32, #tpu.memory_space<vmem_shared>>
      %dma_wait3A_185 = tpu.memref_slice %arg8[%dma_wait3A_174] : memref<8x!tpu.dma_semaphore, #tpu.memory_space<semaphore_mem>> -> memref<1x!tpu.dma_semaphore, #tpu.memory_space<semaphore_mem>>
      %dma_wait3A_186 = tpu.memref_squeeze %dma_wait3A_185 : memref<1x!tpu.dma_semaphore, #tpu.memory_space<semaphore_mem>> -> memref<!tpu.dma_semaphore, #tpu.memory_space<semaphore_mem>>
      tpu.wait_indirect_dma semaphore(%dma_wait3A_186 : memref<!tpu.dma_semaphore, #tpu.memory_space<semaphore_mem>>) src(%dma_wait3A_184 : memref<1000x64xf32, #tpu.memory_space<vmem_shared>>) dst(%dma_wait3A_178 : memref<128x64xf32, #tpu.memory_space<vmem>>)
      %mul3A_187 = arith.constant 128 : i32
      %mul3A_188 = arith.muli %add3A_171, %mul3A_187 : i32
      %add3A_189 = arith.addi %mul3A_2, %mul3A_188 : i32
      %dma_start3A_190 = arith.constant 1 : i32
      %dma_start3A_191 = arith.constant 1 : i32
      %dma_start3A_192 = arith.constant 0 : i32
      %dma_start3A_193 = arith.constant 0 : i32
      %dma_start3A_194 = tpu.memref_slice %arg7[%dma_start3A_190, %dma_start3A_192, %dma_start3A_193] : memref<8x128x64xf32, #tpu.memory_space<vmem>> -> memref<1x128x64xf32, #tpu.memory_space<vmem>>
      %dma_start3A_195 = tpu.memref_squeeze %dma_start3A_194 : memref<1x128x64xf32, #tpu.memory_space<vmem>> -> memref<128x64xf32, #tpu.memory_space<vmem>>
      %dma_start3A_196 = arith.constant 0 : i32
      %dma_start3A_197 = tpu.memref_slice %arg4[%add3A_189, %dma_start3A_196] : memref<819200x128xf32, #tpu.memory_space<hbm>> -> memref<128x64xf32, #tpu.memory_space<hbm>>
      %dma_start3A_198 = tpu.memref_slice %arg9[%dma_start3A_191] : memref<8x!tpu.dma_semaphore, #tpu.memory_space<semaphore_mem>> -> memref<1x!tpu.dma_semaphore, #tpu.memory_space<semaphore_mem>>
      %dma_start3A_199 = tpu.memref_squeeze %dma_start3A_198 : memref<1x!tpu.dma_semaphore, #tpu.memory_space<semaphore_mem>> -> memref<!tpu.dma_semaphore, #tpu.memory_space<semaphore_mem>>
      %dma_start3A_200 = arith.constant 0 : i32
      %dma_start3A_201 = tpu.memref_slice %arg4[%add3A_189, %dma_start3A_200] : memref<819200x128xf32, #tpu.memory_space<hbm>> -> memref<128x64xf32, #tpu.memory_space<hbm>>
      %dma_start3A_202 = arith.constant 0 : i32
      %dma_start3A_203 = arith.constant 0 : i32
      %dma_start3A_204 = tpu.memref_slice %arg7[%dma_start3A_190, %dma_start3A_202, %dma_start3A_203] : memref<8x128x64xf32, #tpu.memory_space<vmem>> -> memref<1x128x64xf32, #tpu.memory_space<vmem>>
      %dma_start3A_205 = tpu.memref_squeeze %dma_start3A_204 : memref<1x128x64xf32, #tpu.memory_space<vmem>> -> memref<128x64xf32, #tpu.memory_space<vmem>>
      tpu.enqueue_dma source(%dma_start3A_205 : memref<128x64xf32, #tpu.memory_space<vmem>>) target(%dma_start3A_201 : memref<128x64xf32, #tpu.memory_space<hbm>>) target_semaphore(%dma_start3A_199 : memref<!tpu.dma_semaphore, #tpu.memory_space<semaphore_mem>>)
      %mul3A_206 = arith.constant 8 : i32
      %mul3A_207 = arith.muli %scan3A_130, %mul3A_206 : i32
      %add3A_208 = arith.constant 2 : i32
      %add3A_209 = arith.addi %mul3A_207, %add3A_208 : i32
      %dma_wait3A_210 = arith.constant 0 : i32
      %dma_wait3A_211 = arith.constant 2 : i32
      %dma_wait3A_212 = arith.constant 2 : i32
      %dma_wait3A_213 = arith.constant 0 : i32
      %dma_wait3A_214 = arith.constant 0 : i32
      %dma_wait3A_215 = tpu.memref_slice %arg7[%dma_wait3A_211, %dma_wait3A_213, %dma_wait3A_214] : memref<8x128x64xf32, #tpu.memory_space<vmem>> -> memref<1x128x64xf32, #tpu.memory_space<vmem>>
      %dma_wait3A_216 = tpu.memref_squeeze %dma_wait3A_215 : memref<1x128x64xf32, #tpu.memory_space<vmem>> -> memref<128x64xf32, #tpu.memory_space<vmem>>
      %dma_wait3A_217 = arith.constant 0 : i32
      %dma_wait3A_218 = tpu.memref_slice %arg5[%dma_wait3A_210, %dma_wait3A_217] : memref<200x128xi32, #tpu.memory_space<vmem>> -> memref<1x128xi32, #tpu.memory_space<vmem>>
      %dma_wait3A_219 = tpu.memref_squeeze %dma_wait3A_218 : memref<1x128xi32, #tpu.memory_space<vmem>> -> memref<128xi32, #tpu.memory_space<vmem>>
      %dma_wait3A_220 = arith.constant 0 : i32
      %dma_wait3A_221 = arith.constant 0 : i32
      %dma_wait3A_222 = tpu.memref_slice %arg6[%dma_wait3A_220, %dma_wait3A_221] : memref<1000x64xf32, #tpu.memory_space<vmem_shared>> -> memref<1000x64xf32, #tpu.memory_space<vmem_shared>>
      %dma_wait3A_223 = tpu.memref_slice %arg8[%dma_wait3A_212] : memref<8x!tpu.dma_semaphore, #tpu.memory_space<semaphore_mem>> -> memref<1x!tpu.dma_semaphore, #tpu.memory_space<semaphore_mem>>
      %dma_wait3A_224 = tpu.memref_squeeze %dma_wait3A_223 : memref<1x!tpu.dma_semaphore, #tpu.memory_space<semaphore_mem>> -> memref<!tpu.dma_semaphore, #tpu.memory_space<semaphore_mem>>
      tpu.wait_indirect_dma semaphore(%dma_wait3A_224 : memref<!tpu.dma_semaphore, #tpu.memory_space<semaphore_mem>>) src(%dma_wait3A_222 : memref<1000x64xf32, #tpu.memory_space<vmem_shared>>) dst(%dma_wait3A_216 : memref<128x64xf32, #tpu.memory_space<vmem>>)
      %mul3A_225 = arith.constant 128 : i32
      %mul3A_226 = arith.muli %add3A_209, %mul3A_225 : i32
      %add3A_227 = arith.addi %mul3A_2, %mul3A_226 : i32
      %dma_start3A_228 = arith.constant 2 : i32
      %dma_start3A_229 = arith.constant 2 : i32
      %dma_start3A_230 = arith.constant 0 : i32
      %dma_start3A_231 = arith.constant 0 : i32
      %dma_start3A_232 = tpu.memref_slice %arg7[%dma_start3A_228, %dma_start3A_230, %dma_start3A_231] : memref<8x128x64xf32, #tpu.memory_space<vmem>> -> memref<1x128x64xf32, #tpu.memory_space<vmem>>
      %dma_start3A_233 = tpu.memref_squeeze %dma_start3A_232 : memref<1x128x64xf32, #tpu.memory_space<vmem>> -> memref<128x64xf32, #tpu.memory_space<vmem>>
      %dma_start3A_234 = arith.constant 0 : i32
      %dma_start3A_235 = tpu.memref_slice %arg4[%add3A_227, %dma_start3A_234] : memref<819200x128xf32, #tpu.memory_space<hbm>> -> memref<128x64xf32, #tpu.memory_space<hbm>>
      %dma_start3A_236 = tpu.memref_slice %arg9[%dma_start3A_229] : memref<8x!tpu.dma_semaphore, #tpu.memory_space<semaphore_mem>> -> memref<1x!tpu.dma_semaphore, #tpu.memory_space<semaphore_mem>>
      %dma_start3A_237 = tpu.memref_squeeze %dma_start3A_236 : memref<1x!tpu.dma_semaphore, #tpu.memory_space<semaphore_mem>> -> memref<!tpu.dma_semaphore, #tpu.memory_space<semaphore_mem>>
      %dma_start3A_238 = arith.constant 0 : i32
      %dma_start3A_239 = tpu.memref_slice %arg4[%add3A_227, %dma_start3A_238] : memref<819200x128xf32, #tpu.memory_space<hbm>> -> memref<128x64xf32, #tpu.memory_space<hbm>>
      %dma_start3A_240 = arith.constant 0 : i32
      %dma_start3A_241 = arith.constant 0 : i32
      %dma_start3A_242 = tpu.memref_slice %arg7[%dma_start3A_228, %dma_start3A_240, %dma_start3A_241] : memref<8x128x64xf32, #tpu.memory_space<vmem>> -> memref<1x128x64xf32, #tpu.memory_space<vmem>>
      %dma_start3A_243 = tpu.memref_squeeze %dma_start3A_242 : memref<1x128x64xf32, #tpu.memory_space<vmem>> -> memref<128x64xf32, #tpu.memory_space<vmem>>
      tpu.enqueue_dma source(%dma_start3A_243 : memref<128x64xf32, #tpu.memory_space<vmem>>) target(%dma_start3A_239 : memref<128x64xf32, #tpu.memory_space<hbm>>) target_semaphore(%dma_start3A_237 : memref<!tpu.dma_semaphore, #tpu.memory_space<semaphore_mem>>)
      %mul3A_244 = arith.constant 8 : i32
      %mul3A_245 = arith.muli %scan3A_130, %mul3A_244 : i32
      %add3A_246 = arith.constant 3 : i32
      %add3A_247 = arith.addi %mul3A_245, %add3A_246 : i32
      %dma_wait3A_248 = arith.constant 0 : i32
      %dma_wait3A_249 = arith.constant 3 : i32
      %dma_wait3A_250 = arith.constant 3 : i32
      %dma_wait3A_251 = arith.constant 0 : i32
      %dma_wait3A_252 = arith.constant 0 : i32
      %dma_wait3A_253 = tpu.memref_slice %arg7[%dma_wait3A_249, %dma_wait3A_251, %dma_wait3A_252] : memref<8x128x64xf32, #tpu.memory_space<vmem>> -> memref<1x128x64xf32, #tpu.memory_space<vmem>>
      %dma_wait3A_254 = tpu.memref_squeeze %dma_wait3A_253 : memref<1x128x64xf32, #tpu.memory_space<vmem>> -> memref<128x64xf32, #tpu.memory_space<vmem>>
      %dma_wait3A_255 = arith.constant 0 : i32
      %dma_wait3A_256 = tpu.memref_slice %arg5[%dma_wait3A_248, %dma_wait3A_255] : memref<200x128xi32, #tpu.memory_space<vmem>> -> memref<1x128xi32, #tpu.memory_space<vmem>>
      %dma_wait3A_257 = tpu.memref_squeeze %dma_wait3A_256 : memref<1x128xi32, #tpu.memory_space<vmem>> -> memref<128xi32, #tpu.memory_space<vmem>>
      %dma_wait3A_258 = arith.constant 0 : i32
      %dma_wait3A_259 = arith.constant 0 : i32
      %dma_wait3A_260 = tpu.memref_slice %arg6[%dma_wait3A_258, %dma_wait3A_259] : memref<1000x64xf32, #tpu.memory_space<vmem_shared>> -> memref<1000x64xf32, #tpu.memory_space<vmem_shared>>
      %dma_wait3A_261 = tpu.memref_slice %arg8[%dma_wait3A_250] : memref<8x!tpu.dma_semaphore, #tpu.memory_space<semaphore_mem>> -> memref<1x!tpu.dma_semaphore, #tpu.memory_space<semaphore_mem>>
      %dma_wait3A_262 = tpu.memref_squeeze %dma_wait3A_261 : memref<1x!tpu.dma_semaphore, #tpu.memory_space<semaphore_mem>> -> memref<!tpu.dma_semaphore, #tpu.memory_space<semaphore_mem>>
      tpu.wait_indirect_dma semaphore(%dma_wait3A_262 : memref<!tpu.dma_semaphore, #tpu.memory_space<semaphore_mem>>) src(%dma_wait3A_260 : memref<1000x64xf32, #tpu.memory_space<vmem_shared>>) dst(%dma_wait3A_254 : memref<128x64xf32, #tpu.memory_space<vmem>>)
      %mul3A_263 = arith.constant 128 : i32
      %mul3A_264 = arith.muli %add3A_247, %mul3A_263 : i32
      %add3A_265 = arith.addi %mul3A_2, %mul3A_264 : i32
      %dma_start3A_266 = arith.constant 3 : i32
      %dma_start3A_267 = arith.constant 3 : i32
      %dma_start3A_268 = arith.constant 0 : i32
      %dma_start3A_269 = arith.constant 0 : i32
      %dma_start3A_270 = tpu.memref_slice %arg7[%dma_start3A_266, %dma_start3A_268, %dma_start3A_269] : memref<8x128x64xf32, #tpu.memory_space<vmem>> -> memref<1x128x64xf32, #tpu.memory_space<vmem>>
      %dma_start3A_271 = tpu.memref_squeeze %dma_start3A_270 : memref<1x128x64xf32, #tpu.memory_space<vmem>> -> memref<128x64xf32, #tpu.memory_space<vmem>>
      %dma_start3A_272 = arith.constant 0 : i32
      %dma_start3A_273 = tpu.memref_slice %arg4[%add3A_265, %dma_start3A_272] : memref<819200x128xf32, #tpu.memory_space<hbm>> -> memref<128x64xf32, #tpu.memory_space<hbm>>
      %dma_start3A_274 = tpu.memref_slice %arg9[%dma_start3A_267] : memref<8x!tpu.dma_semaphore, #tpu.memory_space<semaphore_mem>> -> memref<1x!tpu.dma_semaphore, #tpu.memory_space<semaphore_mem>>
      %dma_start3A_275 = tpu.memref_squeeze %dma_start3A_274 : memref<1x!tpu.dma_semaphore, #tpu.memory_space<semaphore_mem>> -> memref<!tpu.dma_semaphore, #tpu.memory_space<semaphore_mem>>
      %dma_start3A_276 = arith.constant 0 : i32
      %dma_start3A_277 = tpu.memref_slice %arg4[%add3A_265, %dma_start3A_276] : memref<819200x128xf32, #tpu.memory_space<hbm>> -> memref<128x64xf32, #tpu.memory_space<hbm>>
      %dma_start3A_278 = arith.constant 0 : i32
      %dma_start3A_279 = arith.constant 0 : i32
      %dma_start3A_280 = tpu.memref_slice %arg7[%dma_start3A_266, %dma_start3A_278, %dma_start3A_279] : memref<8x128x64xf32, #tpu.memory_space<vmem>> -> memref<1x128x64xf32, #tpu.memory_space<vmem>>
      %dma_start3A_281 = tpu.memref_squeeze %dma_start3A_280 : memref<1x128x64xf32, #tpu.memory_space<vmem>> -> memref<128x64xf32, #tpu.memory_space<vmem>>
      tpu.enqueue_dma source(%dma_start3A_281 : memref<128x64xf32, #tpu.memory_space<vmem>>) target(%dma_start3A_277 : memref<128x64xf32, #tpu.memory_space<hbm>>) target_semaphore(%dma_start3A_275 : memref<!tpu.dma_semaphore, #tpu.memory_space<semaphore_mem>>)
      %mul3A_282 = arith.constant 8 : i32
      %mul3A_283 = arith.muli %scan3A_130, %mul3A_282 : i32
      %add3A_284 = arith.constant 4 : i32
      %add3A_285 = arith.addi %mul3A_283, %add3A_284 : i32
      %dma_wait3A_286 = arith.constant 0 : i32
      %dma_wait3A_287 = arith.constant 4 : i32
      %dma_wait3A_288 = arith.constant 4 : i32
      %dma_wait3A_289 = arith.constant 0 : i32
      %dma_wait3A_290 = arith.constant 0 : i32
      %dma_wait3A_291 = tpu.memref_slice %arg7[%dma_wait3A_287, %dma_wait3A_289, %dma_wait3A_290] : memref<8x128x64xf32, #tpu.memory_space<vmem>> -> memref<1x128x64xf32, #tpu.memory_space<vmem>>
      %dma_wait3A_292 = tpu.memref_squeeze %dma_wait3A_291 : memref<1x128x64xf32, #tpu.memory_space<vmem>> -> memref<128x64xf32, #tpu.memory_space<vmem>>
      %dma_wait3A_293 = arith.constant 0 : i32
      %dma_wait3A_294 = tpu.memref_slice %arg5[%dma_wait3A_286, %dma_wait3A_293] : memref<200x128xi32, #tpu.memory_space<vmem>> -> memref<1x128xi32, #tpu.memory_space<vmem>>
      %dma_wait3A_295 = tpu.memref_squeeze %dma_wait3A_294 : memref<1x128xi32, #tpu.memory_space<vmem>> -> memref<128xi32, #tpu.memory_space<vmem>>
      %dma_wait3A_296 = arith.constant 0 : i32
      %dma_wait3A_297 = arith.constant 0 : i32
      %dma_wait3A_298 = tpu.memref_slice %arg6[%dma_wait3A_296, %dma_wait3A_297] : memref<1000x64xf32, #tpu.memory_space<vmem_shared>> -> memref<1000x64xf32, #tpu.memory_space<vmem_shared>>
      %dma_wait3A_299 = tpu.memref_slice %arg8[%dma_wait3A_288] : memref<8x!tpu.dma_semaphore, #tpu.memory_space<semaphore_mem>> -> memref<1x!tpu.dma_semaphore, #tpu.memory_space<semaphore_mem>>
      %dma_wait3A_300 = tpu.memref_squeeze %dma_wait3A_299 : memref<1x!tpu.dma_semaphore, #tpu.memory_space<semaphore_mem>> -> memref<!tpu.dma_semaphore, #tpu.memory_space<semaphore_mem>>
      tpu.wait_indirect_dma semaphore(%dma_wait3A_300 : memref<!tpu.dma_semaphore, #tpu.memory_space<semaphore_mem>>) src(%dma_wait3A_298 : memref<1000x64xf32, #tpu.memory_space<vmem_shared>>) dst(%dma_wait3A_292 : memref<128x64xf32, #tpu.memory_space<vmem>>)
      %mul3A_301 = arith.constant 128 : i32
      %mul3A_302 = arith.muli %add3A_285, %mul3A_301 : i32
      %add3A_303 = arith.addi %mul3A_2, %mul3A_302 : i32
      %dma_start3A_304 = arith.constant 4 : i32
      %dma_start3A_305 = arith.constant 4 : i32
      %dma_start3A_306 = arith.constant 0 : i32
      %dma_start3A_307 = arith.constant 0 : i32
      %dma_start3A_308 = tpu.memref_slice %arg7[%dma_start3A_304, %dma_start3A_306, %dma_start3A_307] : memref<8x128x64xf32, #tpu.memory_space<vmem>> -> memref<1x128x64xf32, #tpu.memory_space<vmem>>
      %dma_start3A_309 = tpu.memref_squeeze %dma_start3A_308 : memref<1x128x64xf32, #tpu.memory_space<vmem>> -> memref<128x64xf32, #tpu.memory_space<vmem>>
      %dma_start3A_310 = arith.constant 0 : i32
      %dma_start3A_311 = tpu.memref_slice %arg4[%add3A_303, %dma_start3A_310] : memref<819200x128xf32, #tpu.memory_space<hbm>> -> memref<128x64xf32, #tpu.memory_space<hbm>>
      %dma_start3A_312 = tpu.memref_slice %arg9[%dma_start3A_305] : memref<8x!tpu.dma_semaphore, #tpu.memory_space<semaphore_mem>> -> memref<1x!tpu.dma_semaphore, #tpu.memory_space<semaphore_mem>>
      %dma_start3A_313 = tpu.memref_squeeze %dma_start3A_312 : memref<1x!tpu.dma_semaphore, #tpu.memory_space<semaphore_mem>> -> memref<!tpu.dma_semaphore, #tpu.memory_space<semaphore_mem>>
      %dma_start3A_314 = arith.constant 0 : i32
      %dma_start3A_315 = tpu.memref_slice %arg4[%add3A_303, %dma_start3A_314] : memref<819200x128xf32, #tpu.memory_space<hbm>> -> memref<128x64xf32, #tpu.memory_space<hbm>>
      %dma_start3A_316 = arith.constant 0 : i32
      %dma_start3A_317 = arith.constant 0 : i32
      %dma_start3A_318 = tpu.memref_slice %arg7[%dma_start3A_304, %dma_start3A_316, %dma_start3A_317] : memref<8x128x64xf32, #tpu.memory_space<vmem>> -> memref<1x128x64xf32, #tpu.memory_space<vmem>>
      %dma_start3A_319 = tpu.memref_squeeze %dma_start3A_318 : memref<1x128x64xf32, #tpu.memory_space<vmem>> -> memref<128x64xf32, #tpu.memory_space<vmem>>
      tpu.enqueue_dma source(%dma_start3A_319 : memref<128x64xf32, #tpu.memory_space<vmem>>) target(%dma_start3A_315 : memref<128x64xf32, #tpu.memory_space<hbm>>) target_semaphore(%dma_start3A_313 : memref<!tpu.dma_semaphore, #tpu.memory_space<semaphore_mem>>)
      %mul3A_320 = arith.constant 8 : i32
      %mul3A_321 = arith.muli %scan3A_130, %mul3A_320 : i32
      %add3A_322 = arith.constant 5 : i32
      %add3A_323 = arith.addi %mul3A_321, %add3A_322 : i32
      %dma_wait3A_324 = arith.constant 0 : i32
      %dma_wait3A_325 = arith.constant 5 : i32
      %dma_wait3A_326 = arith.constant 5 : i32
      %dma_wait3A_327 = arith.constant 0 : i32
      %dma_wait3A_328 = arith.constant 0 : i32
      %dma_wait3A_329 = tpu.memref_slice %arg7[%dma_wait3A_325, %dma_wait3A_327, %dma_wait3A_328] : memref<8x128x64xf32, #tpu.memory_space<vmem>> -> memref<1x128x64xf32, #tpu.memory_space<vmem>>
      %dma_wait3A_330 = tpu.memref_squeeze %dma_wait3A_329 : memref<1x128x64xf32, #tpu.memory_space<vmem>> -> memref<128x64xf32, #tpu.memory_space<vmem>>
      %dma_wait3A_331 = arith.constant 0 : i32
      %dma_wait3A_332 = tpu.memref_slice %arg5[%dma_wait3A_324, %dma_wait3A_331] : memref<200x128xi32, #tpu.memory_space<vmem>> -> memref<1x128xi32, #tpu.memory_space<vmem>>
      %dma_wait3A_333 = tpu.memref_squeeze %dma_wait3A_332 : memref<1x128xi32, #tpu.memory_space<vmem>> -> memref<128xi32, #tpu.memory_space<vmem>>
      %dma_wait3A_334 = arith.constant 0 : i32
      %dma_wait3A_335 = arith.constant 0 : i32
      %dma_wait3A_336 = tpu.memref_slice %arg6[%dma_wait3A_334, %dma_wait3A_335] : memref<1000x64xf32, #tpu.memory_space<vmem_shared>> -> memref<1000x64xf32, #tpu.memory_space<vmem_shared>>
      %dma_wait3A_337 = tpu.memref_slice %arg8[%dma_wait3A_326] : memref<8x!tpu.dma_semaphore, #tpu.memory_space<semaphore_mem>> -> memref<1x!tpu.dma_semaphore, #tpu.memory_space<semaphore_mem>>
      %dma_wait3A_338 = tpu.memref_squeeze %dma_wait3A_337 : memref<1x!tpu.dma_semaphore, #tpu.memory_space<semaphore_mem>> -> memref<!tpu.dma_semaphore, #tpu.memory_space<semaphore_mem>>
      tpu.wait_indirect_dma semaphore(%dma_wait3A_338 : memref<!tpu.dma_semaphore, #tpu.memory_space<semaphore_mem>>) src(%dma_wait3A_336 : memref<1000x64xf32, #tpu.memory_space<vmem_shared>>) dst(%dma_wait3A_330 : memref<128x64xf32, #tpu.memory_space<vmem>>)
      %mul3A_339 = arith.constant 128 : i32
      %mul3A_340 = arith.muli %add3A_323, %mul3A_339 : i32
      %add3A_341 = arith.addi %mul3A_2, %mul3A_340 : i32
      %dma_start3A_342 = arith.constant 5 : i32
      %dma_start3A_343 = arith.constant 5 : i32
      %dma_start3A_344 = arith.constant 0 : i32
      %dma_start3A_345 = arith.constant 0 : i32
      %dma_start3A_346 = tpu.memref_slice %arg7[%dma_start3A_342, %dma_start3A_344, %dma_start3A_345] : memref<8x128x64xf32, #tpu.memory_space<vmem>> -> memref<1x128x64xf32, #tpu.memory_space<vmem>>
      %dma_start3A_347 = tpu.memref_squeeze %dma_start3A_346 : memref<1x128x64xf32, #tpu.memory_space<vmem>> -> memref<128x64xf32, #tpu.memory_space<vmem>>
      %dma_start3A_348 = arith.constant 0 : i32
      %dma_start3A_349 = tpu.memref_slice %arg4[%add3A_341, %dma_start3A_348] : memref<819200x128xf32, #tpu.memory_space<hbm>> -> memref<128x64xf32, #tpu.memory_space<hbm>>
      %dma_start3A_350 = tpu.memref_slice %arg9[%dma_start3A_343] : memref<8x!tpu.dma_semaphore, #tpu.memory_space<semaphore_mem>> -> memref<1x!tpu.dma_semaphore, #tpu.memory_space<semaphore_mem>>
      %dma_start3A_351 = tpu.memref_squeeze %dma_start3A_350 : memref<1x!tpu.dma_semaphore, #tpu.memory_space<semaphore_mem>> -> memref<!tpu.dma_semaphore, #tpu.memory_space<semaphore_mem>>
      %dma_start3A_352 = arith.constant 0 : i32
      %dma_start3A_353 = tpu.memref_slice %arg4[%add3A_341, %dma_start3A_352] : memref<819200x128xf32, #tpu.memory_space<hbm>> -> memref<128x64xf32, #tpu.memory_space<hbm>>
      %dma_start3A_354 = arith.constant 0 : i32
      %dma_start3A_355 = arith.constant 0 : i32
      %dma_start3A_356 = tpu.memref_slice %arg7[%dma_start3A_342, %dma_start3A_354, %dma_start3A_355] : memref<8x128x64xf32, #tpu.memory_space<vmem>> -> memref<1x128x64xf32, #tpu.memory_space<vmem>>
      %dma_start3A_357 = tpu.memref_squeeze %dma_start3A_356 : memref<1x128x64xf32, #tpu.memory_space<vmem>> -> memref<128x64xf32, #tpu.memory_space<vmem>>
      tpu.enqueue_dma source(%dma_start3A_357 : memref<128x64xf32, #tpu.memory_space<vmem>>) target(%dma_start3A_353 : memref<128x64xf32, #tpu.memory_space<hbm>>) target_semaphore(%dma_start3A_351 : memref<!tpu.dma_semaphore, #tpu.memory_space<semaphore_mem>>)
      %mul3A_358 = arith.constant 8 : i32
      %mul3A_359 = arith.muli %scan3A_130, %mul3A_358 : i32
      %add3A_360 = arith.constant 6 : i32
      %add3A_361 = arith.addi %mul3A_359, %add3A_360 : i32
      %dma_wait3A_362 = arith.constant 0 : i32
      %dma_wait3A_363 = arith.constant 6 : i32
      %dma_wait3A_364 = arith.constant 6 : i32
      %dma_wait3A_365 = arith.constant 0 : i32
      %dma_wait3A_366 = arith.constant 0 : i32
      %dma_wait3A_367 = tpu.memref_slice %arg7[%dma_wait3A_363, %dma_wait3A_365, %dma_wait3A_366] : memref<8x128x64xf32, #tpu.memory_space<vmem>> -> memref<1x128x64xf32, #tpu.memory_space<vmem>>
      %dma_wait3A_368 = tpu.memref_squeeze %dma_wait3A_367 : memref<1x128x64xf32, #tpu.memory_space<vmem>> -> memref<128x64xf32, #tpu.memory_space<vmem>>
      %dma_wait3A_369 = arith.constant 0 : i32
      %dma_wait3A_370 = tpu.memref_slice %arg5[%dma_wait3A_362, %dma_wait3A_369] : memref<200x128xi32, #tpu.memory_space<vmem>> -> memref<1x128xi32, #tpu.memory_space<vmem>>
      %dma_wait3A_371 = tpu.memref_squeeze %dma_wait3A_370 : memref<1x128xi32, #tpu.memory_space<vmem>> -> memref<128xi32, #tpu.memory_space<vmem>>
      %dma_wait3A_372 = arith.constant 0 : i32
      %dma_wait3A_373 = arith.constant 0 : i32
      %dma_wait3A_374 = tpu.memref_slice %arg6[%dma_wait3A_372, %dma_wait3A_373] : memref<1000x64xf32, #tpu.memory_space<vmem_shared>> -> memref<1000x64xf32, #tpu.memory_space<vmem_shared>>
      %dma_wait3A_375 = tpu.memref_slice %arg8[%dma_wait3A_364] : memref<8x!tpu.dma_semaphore, #tpu.memory_space<semaphore_mem>> -> memref<1x!tpu.dma_semaphore, #tpu.memory_space<semaphore_mem>>
      %dma_wait3A_376 = tpu.memref_squeeze %dma_wait3A_375 : memref<1x!tpu.dma_semaphore, #tpu.memory_space<semaphore_mem>> -> memref<!tpu.dma_semaphore, #tpu.memory_space<semaphore_mem>>
      tpu.wait_indirect_dma semaphore(%dma_wait3A_376 : memref<!tpu.dma_semaphore, #tpu.memory_space<semaphore_mem>>) src(%dma_wait3A_374 : memref<1000x64xf32, #tpu.memory_space<vmem_shared>>) dst(%dma_wait3A_368 : memref<128x64xf32, #tpu.memory_space<vmem>>)
      %mul3A_377 = arith.constant 128 : i32
      %mul3A_378 = arith.muli %add3A_361, %mul3A_377 : i32
      %add3A_379 = arith.addi %mul3A_2, %mul3A_378 : i32
      %dma_start3A_380 = arith.constant 6 : i32
      %dma_start3A_381 = arith.constant 6 : i32
      %dma_start3A_382 = arith.constant 0 : i32
      %dma_start3A_383 = arith.constant 0 : i32
      %dma_start3A_384 = tpu.memref_slice %arg7[%dma_start3A_380, %dma_start3A_382, %dma_start3A_383] : memref<8x128x64xf32, #tpu.memory_space<vmem>> -> memref<1x128x64xf32, #tpu.memory_space<vmem>>
      %dma_start3A_385 = tpu.memref_squeeze %dma_start3A_384 : memref<1x128x64xf32, #tpu.memory_space<vmem>> -> memref<128x64xf32, #tpu.memory_space<vmem>>
      %dma_start3A_386 = arith.constant 0 : i32
      %dma_start3A_387 = tpu.memref_slice %arg4[%add3A_379, %dma_start3A_386] : memref<819200x128xf32, #tpu.memory_space<hbm>> -> memref<128x64xf32, #tpu.memory_space<hbm>>
      %dma_start3A_388 = tpu.memref_slice %arg9[%dma_start3A_381] : memref<8x!tpu.dma_semaphore, #tpu.memory_space<semaphore_mem>> -> memref<1x!tpu.dma_semaphore, #tpu.memory_space<semaphore_mem>>
      %dma_start3A_389 = tpu.memref_squeeze %dma_start3A_388 : memref<1x!tpu.dma_semaphore, #tpu.memory_space<semaphore_mem>> -> memref<!tpu.dma_semaphore, #tpu.memory_space<semaphore_mem>>
      %dma_start3A_390 = arith.constant 0 : i32
      %dma_start3A_391 = tpu.memref_slice %arg4[%add3A_379, %dma_start3A_390] : memref<819200x128xf32, #tpu.memory_space<hbm>> -> memref<128x64xf32, #tpu.memory_space<hbm>>
      %dma_start3A_392 = arith.constant 0 : i32
      %dma_start3A_393 = arith.constant 0 : i32
      %dma_start3A_394 = tpu.memref_slice %arg7[%dma_start3A_380, %dma_start3A_392, %dma_start3A_393] : memref<8x128x64xf32, #tpu.memory_space<vmem>> -> memref<1x128x64xf32, #tpu.memory_space<vmem>>
      %dma_start3A_395 = tpu.memref_squeeze %dma_start3A_394 : memref<1x128x64xf32, #tpu.memory_space<vmem>> -> memref<128x64xf32, #tpu.memory_space<vmem>>
      tpu.enqueue_dma source(%dma_start3A_395 : memref<128x64xf32, #tpu.memory_space<vmem>>) target(%dma_start3A_391 : memref<128x64xf32, #tpu.memory_space<hbm>>) target_semaphore(%dma_start3A_389 : memref<!tpu.dma_semaphore, #tpu.memory_space<semaphore_mem>>)
      %mul3A_396 = arith.constant 8 : i32
      %mul3A_397 = arith.muli %scan3A_130, %mul3A_396 : i32
      %add3A_398 = arith.constant 7 : i32
      %add3A_399 = arith.addi %mul3A_397, %add3A_398 : i32
      %dma_wait3A_400 = arith.constant 0 : i32
      %dma_wait3A_401 = arith.constant 7 : i32
      %dma_wait3A_402 = arith.constant 7 : i32
      %dma_wait3A_403 = arith.constant 0 : i32
      %dma_wait3A_404 = arith.constant 0 : i32
      %dma_wait3A_405 = tpu.memref_slice %arg7[%dma_wait3A_401, %dma_wait3A_403, %dma_wait3A_404] : memref<8x128x64xf32, #tpu.memory_space<vmem>> -> memref<1x128x64xf32, #tpu.memory_space<vmem>>
      %dma_wait3A_406 = tpu.memref_squeeze %dma_wait3A_405 : memref<1x128x64xf32, #tpu.memory_space<vmem>> -> memref<128x64xf32, #tpu.memory_space<vmem>>
      %dma_wait3A_407 = arith.constant 0 : i32
      %dma_wait3A_408 = tpu.memref_slice %arg5[%dma_wait3A_400, %dma_wait3A_407] : memref<200x128xi32, #tpu.memory_space<vmem>> -> memref<1x128xi32, #tpu.memory_space<vmem>>
      %dma_wait3A_409 = tpu.memref_squeeze %dma_wait3A_408 : memref<1x128xi32, #tpu.memory_space<vmem>> -> memref<128xi32, #tpu.memory_space<vmem>>
      %dma_wait3A_410 = arith.constant 0 : i32
      %dma_wait3A_411 = arith.constant 0 : i32
      %dma_wait3A_412 = tpu.memref_slice %arg6[%dma_wait3A_410, %dma_wait3A_411] : memref<1000x64xf32, #tpu.memory_space<vmem_shared>> -> memref<1000x64xf32, #tpu.memory_space<vmem_shared>>
      %dma_wait3A_413 = tpu.memref_slice %arg8[%dma_wait3A_402] : memref<8x!tpu.dma_semaphore, #tpu.memory_space<semaphore_mem>> -> memref<1x!tpu.dma_semaphore, #tpu.memory_space<semaphore_mem>>
      %dma_wait3A_414 = tpu.memref_squeeze %dma_wait3A_413 : memref<1x!tpu.dma_semaphore, #tpu.memory_space<semaphore_mem>> -> memref<!tpu.dma_semaphore, #tpu.memory_space<semaphore_mem>>
      tpu.wait_indirect_dma semaphore(%dma_wait3A_414 : memref<!tpu.dma_semaphore, #tpu.memory_space<semaphore_mem>>) src(%dma_wait3A_412 : memref<1000x64xf32, #tpu.memory_space<vmem_shared>>) dst(%dma_wait3A_406 : memref<128x64xf32, #tpu.memory_space<vmem>>)
      %mul3A_415 = arith.constant 128 : i32
      %mul3A_416 = arith.muli %add3A_399, %mul3A_415 : i32
      %add3A_417 = arith.addi %mul3A_2, %mul3A_416 : i32
      %dma_start3A_418 = arith.constant 7 : i32
      %dma_start3A_419 = arith.constant 7 : i32
      %dma_start3A_420 = arith.constant 0 : i32
      %dma_start3A_421 = arith.constant 0 : i32
      %dma_start3A_422 = tpu.memref_slice %arg7[%dma_start3A_418, %dma_start3A_420, %dma_start3A_421] : memref<8x128x64xf32, #tpu.memory_space<vmem>> -> memref<1x128x64xf32, #tpu.memory_space<vmem>>
      %dma_start3A_423 = tpu.memref_squeeze %dma_start3A_422 : memref<1x128x64xf32, #tpu.memory_space<vmem>> -> memref<128x64xf32, #tpu.memory_space<vmem>>
      %dma_start3A_424 = arith.constant 0 : i32
      %dma_start3A_425 = tpu.memref_slice %arg4[%add3A_417, %dma_start3A_424] : memref<819200x128xf32, #tpu.memory_space<hbm>> -> memref<128x64xf32, #tpu.memory_space<hbm>>
      %dma_start3A_426 = tpu.memref_slice %arg9[%dma_start3A_419] : memref<8x!tpu.dma_semaphore, #tpu.memory_space<semaphore_mem>> -> memref<1x!tpu.dma_semaphore, #tpu.memory_space<semaphore_mem>>
      %dma_start3A_427 = tpu.memref_squeeze %dma_start3A_426 : memref<1x!tpu.dma_semaphore, #tpu.memory_space<semaphore_mem>> -> memref<!tpu.dma_semaphore, #tpu.memory_space<semaphore_mem>>
      %dma_start3A_428 = arith.constant 0 : i32
      %dma_start3A_429 = tpu.memref_slice %arg4[%add3A_417, %dma_start3A_428] : memref<819200x128xf32, #tpu.memory_space<hbm>> -> memref<128x64xf32, #tpu.memory_space<hbm>>
      %dma_start3A_430 = arith.constant 0 : i32
      %dma_start3A_431 = arith.constant 0 : i32
      %dma_start3A_432 = tpu.memref_slice %arg7[%dma_start3A_418, %dma_start3A_430, %dma_start3A_431] : memref<8x128x64xf32, #tpu.memory_space<vmem>> -> memref<1x128x64xf32, #tpu.memory_space<vmem>>
      %dma_start3A_433 = tpu.memref_squeeze %dma_start3A_432 : memref<1x128x64xf32, #tpu.memory_space<vmem>> -> memref<128x64xf32, #tpu.memory_space<vmem>>
      tpu.enqueue_dma source(%dma_start3A_433 : memref<128x64xf32, #tpu.memory_space<vmem>>) target(%dma_start3A_429 : memref<128x64xf32, #tpu.memory_space<hbm>>) target_semaphore(%dma_start3A_427 : memref<!tpu.dma_semaphore, #tpu.memory_space<semaphore_mem>>)
      %mul3A_434 = arith.constant 8 : i32
      %mul3A_435 = arith.muli %scan3A_130, %mul3A_434 : i32
      %add3A_436 = arith.constant 0 : i32
      %add3A_437 = arith.addi %mul3A_435, %add3A_436 : i32
      %dma_wait3A_438 = arith.constant 0 : i32
      %dma_wait3A_439 = arith.constant 0 : i32
      %dma_wait3A_440 = arith.constant 0 : i32
      %dma_wait3A_441 = arith.constant 0 : i32
      %dma_wait3A_442 = tpu.memref_slice %arg7[%dma_wait3A_438, %dma_wait3A_440, %dma_wait3A_441] : memref<8x128x64xf32, #tpu.memory_space<vmem>> -> memref<1x128x64xf32, #tpu.memory_space<vmem>>
      %dma_wait3A_443 = tpu.memref_squeeze %dma_wait3A_442 : memref<1x128x64xf32, #tpu.memory_space<vmem>> -> memref<128x64xf32, #tpu.memory_space<vmem>>
      %dma_wait3A_444 = arith.constant 0 : i32
      %dma_wait3A_445 = tpu.memref_slice %arg4[%mul3A_2, %dma_wait3A_444] : memref<819200x128xf32, #tpu.memory_space<hbm>> -> memref<128x64xf32, #tpu.memory_space<hbm>>
      %dma_wait3A_446 = tpu.memref_slice %arg9[%dma_wait3A_439] : memref<8x!tpu.dma_semaphore, #tpu.memory_space<semaphore_mem>> -> memref<1x!tpu.dma_semaphore, #tpu.memory_space<semaphore_mem>>
      %dma_wait3A_447 = tpu.memref_squeeze %dma_wait3A_446 : memref<1x!tpu.dma_semaphore, #tpu.memory_space<semaphore_mem>> -> memref<!tpu.dma_semaphore, #tpu.memory_space<semaphore_mem>>
      %dma_wait3A_448 = arith.constant 0 : i32
      %dma_wait3A_449 = tpu.memref_slice %arg4[%mul3A_2, %dma_wait3A_448] : memref<819200x128xf32, #tpu.memory_space<hbm>> -> memref<128x64xf32, #tpu.memory_space<hbm>>
      %dma_wait3A_450 = arith.constant 0 : i32
      %dma_wait3A_451 = arith.constant 0 : i32
      %dma_wait3A_452 = tpu.memref_slice %arg7[%dma_wait3A_438, %dma_wait3A_450, %dma_wait3A_451] : memref<8x128x64xf32, #tpu.memory_space<vmem>> -> memref<1x128x64xf32, #tpu.memory_space<vmem>>
      %dma_wait3A_453 = tpu.memref_squeeze %dma_wait3A_452 : memref<1x128x64xf32, #tpu.memory_space<vmem>> -> memref<128x64xf32, #tpu.memory_space<vmem>>
      tpu.wait_dma2 semaphore(%dma_wait3A_447 : memref<!tpu.dma_semaphore, #tpu.memory_space<semaphore_mem>>) src(%dma_wait3A_453 : memref<128x64xf32, #tpu.memory_space<vmem>>) dst(%dma_wait3A_449 : memref<128x64xf32, #tpu.memory_space<hbm>>)
      %add3A_454 = arith.constant 8 : i32
      %add3A_455 = arith.addi %add3A_437, %add3A_454 : i32
      %lt3A = arith.constant 200 : i32
      %lt3A_456 = arith.cmpi slt, %add3A_455, %lt3A : i32
      %convert_element_type3A_457 = arith.extui %lt3A_456 : i1 to i32
      %cond3A_458 = arith.constant 0 : i32
      %cond3A_459 = arith.cmpi ne, %convert_element_type3A_457, %cond3A_458 : i32
      scf.if %cond3A_459 {
        %dma_start3A_649 = arith.constant 0 : i32
        %dma_start3A_650 = arith.constant 0 : i32
        %dma_start3A_651 = arith.constant 0 : i32
        %dma_start3A_652 = arith.constant 0 : i32
        %dma_start3A_653 = tpu.memref_slice %arg7[%dma_start3A_649, %dma_start3A_651, %dma_start3A_652] : memref<8x128x64xf32, #tpu.memory_space<vmem>> -> memref<1x128x64xf32, #tpu.memory_space<vmem>>
        %dma_start3A_654 = tpu.memref_squeeze %dma_start3A_653 : memref<1x128x64xf32, #tpu.memory_space<vmem>> -> memref<128x64xf32, #tpu.memory_space<vmem>>
        %dma_start3A_655 = arith.constant 0 : i32
        %dma_start3A_656 = tpu.memref_slice %arg5[%add3A_455, %dma_start3A_655] : memref<200x128xi32, #tpu.memory_space<vmem>> -> memref<1x128xi32, #tpu.memory_space<vmem>>
        %dma_start3A_657 = tpu.memref_squeeze %dma_start3A_656 : memref<1x128xi32, #tpu.memory_space<vmem>> -> memref<128xi32, #tpu.memory_space<vmem>>
        %dma_start3A_658 = arith.constant 0 : i32
        %dma_start3A_659 = arith.constant 0 : i32
        %dma_start3A_660 = tpu.memref_slice %arg6[%dma_start3A_658, %dma_start3A_659] : memref<1000x64xf32, #tpu.memory_space<vmem_shared>> -> memref<1000x64xf32, #tpu.memory_space<vmem_shared>>
        %dma_start3A_661 = tpu.memref_slice %arg8[%dma_start3A_650] : memref<8x!tpu.dma_semaphore, #tpu.memory_space<semaphore_mem>> -> memref<1x!tpu.dma_semaphore, #tpu.memory_space<semaphore_mem>>
        %dma_start3A_662 = tpu.memref_squeeze %dma_start3A_661 : memref<1x!tpu.dma_semaphore, #tpu.memory_space<semaphore_mem>> -> memref<!tpu.dma_semaphore, #tpu.memory_space<semaphore_mem>>
        tpu.enqueue_indirect_dma source(%dma_start3A_660 : memref<1000x64xf32, #tpu.memory_space<vmem_shared>>) target(%dma_start3A_654 : memref<128x64xf32, #tpu.memory_space<vmem>>) offsets(%dma_start3A_657 : memref<128xi32, #tpu.memory_space<vmem>>) semaphore(%dma_start3A_662 : memref<!tpu.dma_semaphore, #tpu.memory_space<semaphore_mem>>)
      } else {
      }
      %mul3A_460 = arith.constant 8 : i32
      %mul3A_461 = arith.muli %scan3A_130, %mul3A_460 : i32
      %add3A_462 = arith.constant 1 : i32
      %add3A_463 = arith.addi %mul3A_461, %add3A_462 : i32
      %dma_wait3A_464 = arith.constant 1 : i32
      %dma_wait3A_465 = arith.constant 1 : i32
      %dma_wait3A_466 = arith.constant 0 : i32
      %dma_wait3A_467 = arith.constant 0 : i32
      %dma_wait3A_468 = tpu.memref_slice %arg7[%dma_wait3A_464, %dma_wait3A_466, %dma_wait3A_467] : memref<8x128x64xf32, #tpu.memory_space<vmem>> -> memref<1x128x64xf32, #tpu.memory_space<vmem>>
      %dma_wait3A_469 = tpu.memref_squeeze %dma_wait3A_468 : memref<1x128x64xf32, #tpu.memory_space<vmem>> -> memref<128x64xf32, #tpu.memory_space<vmem>>
      %dma_wait3A_470 = arith.constant 0 : i32
      %dma_wait3A_471 = tpu.memref_slice %arg4[%mul3A_2, %dma_wait3A_470] : memref<819200x128xf32, #tpu.memory_space<hbm>> -> memref<128x64xf32, #tpu.memory_space<hbm>>
      %dma_wait3A_472 = tpu.memref_slice %arg9[%dma_wait3A_465] : memref<8x!tpu.dma_semaphore, #tpu.memory_space<semaphore_mem>> -> memref<1x!tpu.dma_semaphore, #tpu.memory_space<semaphore_mem>>
      %dma_wait3A_473 = tpu.memref_squeeze %dma_wait3A_472 : memref<1x!tpu.dma_semaphore, #tpu.memory_space<semaphore_mem>> -> memref<!tpu.dma_semaphore, #tpu.memory_space<semaphore_mem>>
      %dma_wait3A_474 = arith.constant 0 : i32
      %dma_wait3A_475 = tpu.memref_slice %arg4[%mul3A_2, %dma_wait3A_474] : memref<819200x128xf32, #tpu.memory_space<hbm>> -> memref<128x64xf32, #tpu.memory_space<hbm>>
      %dma_wait3A_476 = arith.constant 0 : i32
      %dma_wait3A_477 = arith.constant 0 : i32
      %dma_wait3A_478 = tpu.memref_slice %arg7[%dma_wait3A_464, %dma_wait3A_476, %dma_wait3A_477] : memref<8x128x64xf32, #tpu.memory_space<vmem>> -> memref<1x128x64xf32, #tpu.memory_space<vmem>>
      %dma_wait3A_479 = tpu.memref_squeeze %dma_wait3A_478 : memref<1x128x64xf32, #tpu.memory_space<vmem>> -> memref<128x64xf32, #tpu.memory_space<vmem>>
      tpu.wait_dma2 semaphore(%dma_wait3A_473 : memref<!tpu.dma_semaphore, #tpu.memory_space<semaphore_mem>>) src(%dma_wait3A_479 : memref<128x64xf32, #tpu.memory_space<vmem>>) dst(%dma_wait3A_475 : memref<128x64xf32, #tpu.memory_space<hbm>>)
      %add3A_480 = arith.constant 8 : i32
      %add3A_481 = arith.addi %add3A_463, %add3A_480 : i32
      %lt3A_482 = arith.constant 200 : i32
      %lt3A_483 = arith.cmpi slt, %add3A_481, %lt3A_482 : i32
      %convert_element_type3A_484 = arith.extui %lt3A_483 : i1 to i32
      %cond3A_485 = arith.constant 0 : i32
      %cond3A_486 = arith.cmpi ne, %convert_element_type3A_484, %cond3A_485 : i32
      scf.if %cond3A_486 {
        %dma_start3A_649 = arith.constant 1 : i32
        %dma_start3A_650 = arith.constant 1 : i32
        %dma_start3A_651 = arith.constant 0 : i32
        %dma_start3A_652 = arith.constant 0 : i32
        %dma_start3A_653 = tpu.memref_slice %arg7[%dma_start3A_649, %dma_start3A_651, %dma_start3A_652] : memref<8x128x64xf32, #tpu.memory_space<vmem>> -> memref<1x128x64xf32, #tpu.memory_space<vmem>>
        %dma_start3A_654 = tpu.memref_squeeze %dma_start3A_653 : memref<1x128x64xf32, #tpu.memory_space<vmem>> -> memref<128x64xf32, #tpu.memory_space<vmem>>
        %dma_start3A_655 = arith.constant 0 : i32
        %dma_start3A_656 = tpu.memref_slice %arg5[%add3A_481, %dma_start3A_655] : memref<200x128xi32, #tpu.memory_space<vmem>> -> memref<1x128xi32, #tpu.memory_space<vmem>>
        %dma_start3A_657 = tpu.memref_squeeze %dma_start3A_656 : memref<1x128xi32, #tpu.memory_space<vmem>> -> memref<128xi32, #tpu.memory_space<vmem>>
        %dma_start3A_658 = arith.constant 0 : i32
        %dma_start3A_659 = arith.constant 0 : i32
        %dma_start3A_660 = tpu.memref_slice %arg6[%dma_start3A_658, %dma_start3A_659] : memref<1000x64xf32, #tpu.memory_space<vmem_shared>> -> memref<1000x64xf32, #tpu.memory_space<vmem_shared>>
        %dma_start3A_661 = tpu.memref_slice %arg8[%dma_start3A_650] : memref<8x!tpu.dma_semaphore, #tpu.memory_space<semaphore_mem>> -> memref<1x!tpu.dma_semaphore, #tpu.memory_space<semaphore_mem>>
        %dma_start3A_662 = tpu.memref_squeeze %dma_start3A_661 : memref<1x!tpu.dma_semaphore, #tpu.memory_space<semaphore_mem>> -> memref<!tpu.dma_semaphore, #tpu.memory_space<semaphore_mem>>
        tpu.enqueue_indirect_dma source(%dma_start3A_660 : memref<1000x64xf32, #tpu.memory_space<vmem_shared>>) target(%dma_start3A_654 : memref<128x64xf32, #tpu.memory_space<vmem>>) offsets(%dma_start3A_657 : memref<128xi32, #tpu.memory_space<vmem>>) semaphore(%dma_start3A_662 : memref<!tpu.dma_semaphore, #tpu.memory_space<semaphore_mem>>)
      } else {
      }
      %mul3A_487 = arith.constant 8 : i32
      %mul3A_488 = arith.muli %scan3A_130, %mul3A_487 : i32
      %add3A_489 = arith.constant 2 : i32
      %add3A_490 = arith.addi %mul3A_488, %add3A_489 : i32
      %dma_wait3A_491 = arith.constant 2 : i32
      %dma_wait3A_492 = arith.constant 2 : i32
      %dma_wait3A_493 = arith.constant 0 : i32
      %dma_wait3A_494 = arith.constant 0 : i32
      %dma_wait3A_495 = tpu.memref_slice %arg7[%dma_wait3A_491, %dma_wait3A_493, %dma_wait3A_494] : memref<8x128x64xf32, #tpu.memory_space<vmem>> -> memref<1x128x64xf32, #tpu.memory_space<vmem>>
      %dma_wait3A_496 = tpu.memref_squeeze %dma_wait3A_495 : memref<1x128x64xf32, #tpu.memory_space<vmem>> -> memref<128x64xf32, #tpu.memory_space<vmem>>
      %dma_wait3A_497 = arith.constant 0 : i32
      %dma_wait3A_498 = tpu.memref_slice %arg4[%mul3A_2, %dma_wait3A_497] : memref<819200x128xf32, #tpu.memory_space<hbm>> -> memref<128x64xf32, #tpu.memory_space<hbm>>
      %dma_wait3A_499 = tpu.memref_slice %arg9[%dma_wait3A_492] : memref<8x!tpu.dma_semaphore, #tpu.memory_space<semaphore_mem>> -> memref<1x!tpu.dma_semaphore, #tpu.memory_space<semaphore_mem>>
      %dma_wait3A_500 = tpu.memref_squeeze %dma_wait3A_499 : memref<1x!tpu.dma_semaphore, #tpu.memory_space<semaphore_mem>> -> memref<!tpu.dma_semaphore, #tpu.memory_space<semaphore_mem>>
      %dma_wait3A_501 = arith.constant 0 : i32
      %dma_wait3A_502 = tpu.memref_slice %arg4[%mul3A_2, %dma_wait3A_501] : memref<819200x128xf32, #tpu.memory_space<hbm>> -> memref<128x64xf32, #tpu.memory_space<hbm>>
      %dma_wait3A_503 = arith.constant 0 : i32
      %dma_wait3A_504 = arith.constant 0 : i32
      %dma_wait3A_505 = tpu.memref_slice %arg7[%dma_wait3A_491, %dma_wait3A_503, %dma_wait3A_504] : memref<8x128x64xf32, #tpu.memory_space<vmem>> -> memref<1x128x64xf32, #tpu.memory_space<vmem>>
      %dma_wait3A_506 = tpu.memref_squeeze %dma_wait3A_505 : memref<1x128x64xf32, #tpu.memory_space<vmem>> -> memref<128x64xf32, #tpu.memory_space<vmem>>
      tpu.wait_dma2 semaphore(%dma_wait3A_500 : memref<!tpu.dma_semaphore, #tpu.memory_space<semaphore_mem>>) src(%dma_wait3A_506 : memref<128x64xf32, #tpu.memory_space<vmem>>) dst(%dma_wait3A_502 : memref<128x64xf32, #tpu.memory_space<hbm>>)
      %add3A_507 = arith.constant 8 : i32
      %add3A_508 = arith.addi %add3A_490, %add3A_507 : i32
      %lt3A_509 = arith.constant 200 : i32
      %lt3A_510 = arith.cmpi slt, %add3A_508, %lt3A_509 : i32
      %convert_element_type3A_511 = arith.extui %lt3A_510 : i1 to i32
      %cond3A_512 = arith.constant 0 : i32
      %cond3A_513 = arith.cmpi ne, %convert_element_type3A_511, %cond3A_512 : i32
      scf.if %cond3A_513 {
        %dma_start3A_649 = arith.constant 2 : i32
        %dma_start3A_650 = arith.constant 2 : i32
        %dma_start3A_651 = arith.constant 0 : i32
        %dma_start3A_652 = arith.constant 0 : i32
        %dma_start3A_653 = tpu.memref_slice %arg7[%dma_start3A_649, %dma_start3A_651, %dma_start3A_652] : memref<8x128x64xf32, #tpu.memory_space<vmem>> -> memref<1x128x64xf32, #tpu.memory_space<vmem>>
        %dma_start3A_654 = tpu.memref_squeeze %dma_start3A_653 : memref<1x128x64xf32, #tpu.memory_space<vmem>> -> memref<128x64xf32, #tpu.memory_space<vmem>>
        %dma_start3A_655 = arith.constant 0 : i32
        %dma_start3A_656 = tpu.memref_slice %arg5[%add3A_508, %dma_start3A_655] : memref<200x128xi32, #tpu.memory_space<vmem>> -> memref<1x128xi32, #tpu.memory_space<vmem>>
        %dma_start3A_657 = tpu.memref_squeeze %dma_start3A_656 : memref<1x128xi32, #tpu.memory_space<vmem>> -> memref<128xi32, #tpu.memory_space<vmem>>
        %dma_start3A_658 = arith.constant 0 : i32
        %dma_start3A_659 = arith.constant 0 : i32
        %dma_start3A_660 = tpu.memref_slice %arg6[%dma_start3A_658, %dma_start3A_659] : memref<1000x64xf32, #tpu.memory_space<vmem_shared>> -> memref<1000x64xf32, #tpu.memory_space<vmem_shared>>
        %dma_start3A_661 = tpu.memref_slice %arg8[%dma_start3A_650] : memref<8x!tpu.dma_semaphore, #tpu.memory_space<semaphore_mem>> -> memref<1x!tpu.dma_semaphore, #tpu.memory_space<semaphore_mem>>
        %dma_start3A_662 = tpu.memref_squeeze %dma_start3A_661 : memref<1x!tpu.dma_semaphore, #tpu.memory_space<semaphore_mem>> -> memref<!tpu.dma_semaphore, #tpu.memory_space<semaphore_mem>>
        tpu.enqueue_indirect_dma source(%dma_start3A_660 : memref<1000x64xf32, #tpu.memory_space<vmem_shared>>) target(%dma_start3A_654 : memref<128x64xf32, #tpu.memory_space<vmem>>) offsets(%dma_start3A_657 : memref<128xi32, #tpu.memory_space<vmem>>) semaphore(%dma_start3A_662 : memref<!tpu.dma_semaphore, #tpu.memory_space<semaphore_mem>>)
      } else {
      }
      %mul3A_514 = arith.constant 8 : i32
      %mul3A_515 = arith.muli %scan3A_130, %mul3A_514 : i32
      %add3A_516 = arith.constant 3 : i32
      %add3A_517 = arith.addi %mul3A_515, %add3A_516 : i32
      %dma_wait3A_518 = arith.constant 3 : i32
      %dma_wait3A_519 = arith.constant 3 : i32
      %dma_wait3A_520 = arith.constant 0 : i32
      %dma_wait3A_521 = arith.constant 0 : i32
      %dma_wait3A_522 = tpu.memref_slice %arg7[%dma_wait3A_518, %dma_wait3A_520, %dma_wait3A_521] : memref<8x128x64xf32, #tpu.memory_space<vmem>> -> memref<1x128x64xf32, #tpu.memory_space<vmem>>
      %dma_wait3A_523 = tpu.memref_squeeze %dma_wait3A_522 : memref<1x128x64xf32, #tpu.memory_space<vmem>> -> memref<128x64xf32, #tpu.memory_space<vmem>>
      %dma_wait3A_524 = arith.constant 0 : i32
      %dma_wait3A_525 = tpu.memref_slice %arg4[%mul3A_2, %dma_wait3A_524] : memref<819200x128xf32, #tpu.memory_space<hbm>> -> memref<128x64xf32, #tpu.memory_space<hbm>>
      %dma_wait3A_526 = tpu.memref_slice %arg9[%dma_wait3A_519] : memref<8x!tpu.dma_semaphore, #tpu.memory_space<semaphore_mem>> -> memref<1x!tpu.dma_semaphore, #tpu.memory_space<semaphore_mem>>
      %dma_wait3A_527 = tpu.memref_squeeze %dma_wait3A_526 : memref<1x!tpu.dma_semaphore, #tpu.memory_space<semaphore_mem>> -> memref<!tpu.dma_semaphore, #tpu.memory_space<semaphore_mem>>
      %dma_wait3A_528 = arith.constant 0 : i32
      %dma_wait3A_529 = tpu.memref_slice %arg4[%mul3A_2, %dma_wait3A_528] : memref<819200x128xf32, #tpu.memory_space<hbm>> -> memref<128x64xf32, #tpu.memory_space<hbm>>
      %dma_wait3A_530 = arith.constant 0 : i32
      %dma_wait3A_531 = arith.constant 0 : i32
      %dma_wait3A_532 = tpu.memref_slice %arg7[%dma_wait3A_518, %dma_wait3A_530, %dma_wait3A_531] : memref<8x128x64xf32, #tpu.memory_space<vmem>> -> memref<1x128x64xf32, #tpu.memory_space<vmem>>
      %dma_wait3A_533 = tpu.memref_squeeze %dma_wait3A_532 : memref<1x128x64xf32, #tpu.memory_space<vmem>> -> memref<128x64xf32, #tpu.memory_space<vmem>>
      tpu.wait_dma2 semaphore(%dma_wait3A_527 : memref<!tpu.dma_semaphore, #tpu.memory_space<semaphore_mem>>) src(%dma_wait3A_533 : memref<128x64xf32, #tpu.memory_space<vmem>>) dst(%dma_wait3A_529 : memref<128x64xf32, #tpu.memory_space<hbm>>)
      %add3A_534 = arith.constant 8 : i32
      %add3A_535 = arith.addi %add3A_517, %add3A_534 : i32
      %lt3A_536 = arith.constant 200 : i32
      %lt3A_537 = arith.cmpi slt, %add3A_535, %lt3A_536 : i32
      %convert_element_type3A_538 = arith.extui %lt3A_537 : i1 to i32
      %cond3A_539 = arith.constant 0 : i32
      %cond3A_540 = arith.cmpi ne, %convert_element_type3A_538, %cond3A_539 : i32
      scf.if %cond3A_540 {
        %dma_start3A_649 = arith.constant 3 : i32
        %dma_start3A_650 = arith.constant 3 : i32
        %dma_start3A_651 = arith.constant 0 : i32
        %dma_start3A_652 = arith.constant 0 : i32
        %dma_start3A_653 = tpu.memref_slice %arg7[%dma_start3A_649, %dma_start3A_651, %dma_start3A_652] : memref<8x128x64xf32, #tpu.memory_space<vmem>> -> memref<1x128x64xf32, #tpu.memory_space<vmem>>
        %dma_start3A_654 = tpu.memref_squeeze %dma_start3A_653 : memref<1x128x64xf32, #tpu.memory_space<vmem>> -> memref<128x64xf32, #tpu.memory_space<vmem>>
        %dma_start3A_655 = arith.constant 0 : i32
        %dma_start3A_656 = tpu.memref_slice %arg5[%add3A_535, %dma_start3A_655] : memref<200x128xi32, #tpu.memory_space<vmem>> -> memref<1x128xi32, #tpu.memory_space<vmem>>
        %dma_start3A_657 = tpu.memref_squeeze %dma_start3A_656 : memref<1x128xi32, #tpu.memory_space<vmem>> -> memref<128xi32, #tpu.memory_space<vmem>>
        %dma_start3A_658 = arith.constant 0 : i32
        %dma_start3A_659 = arith.constant 0 : i32
        %dma_start3A_660 = tpu.memref_slice %arg6[%dma_start3A_658, %dma_start3A_659] : memref<1000x64xf32, #tpu.memory_space<vmem_shared>> -> memref<1000x64xf32, #tpu.memory_space<vmem_shared>>
        %dma_start3A_661 = tpu.memref_slice %arg8[%dma_start3A_650] : memref<8x!tpu.dma_semaphore, #tpu.memory_space<semaphore_mem>> -> memref<1x!tpu.dma_semaphore, #tpu.memory_space<semaphore_mem>>
        %dma_start3A_662 = tpu.memref_squeeze %dma_start3A_661 : memref<1x!tpu.dma_semaphore, #tpu.memory_space<semaphore_mem>> -> memref<!tpu.dma_semaphore, #tpu.memory_space<semaphore_mem>>
        tpu.enqueue_indirect_dma source(%dma_start3A_660 : memref<1000x64xf32, #tpu.memory_space<vmem_shared>>) target(%dma_start3A_654 : memref<128x64xf32, #tpu.memory_space<vmem>>) offsets(%dma_start3A_657 : memref<128xi32, #tpu.memory_space<vmem>>) semaphore(%dma_start3A_662 : memref<!tpu.dma_semaphore, #tpu.memory_space<semaphore_mem>>)
      } else {
      }
      %mul3A_541 = arith.constant 8 : i32
      %mul3A_542 = arith.muli %scan3A_130, %mul3A_541 : i32
      %add3A_543 = arith.constant 4 : i32
      %add3A_544 = arith.addi %mul3A_542, %add3A_543 : i32
      %dma_wait3A_545 = arith.constant 4 : i32
      %dma_wait3A_546 = arith.constant 4 : i32
      %dma_wait3A_547 = arith.constant 0 : i32
      %dma_wait3A_548 = arith.constant 0 : i32
      %dma_wait3A_549 = tpu.memref_slice %arg7[%dma_wait3A_545, %dma_wait3A_547, %dma_wait3A_548] : memref<8x128x64xf32, #tpu.memory_space<vmem>> -> memref<1x128x64xf32, #tpu.memory_space<vmem>>
      %dma_wait3A_550 = tpu.memref_squeeze %dma_wait3A_549 : memref<1x128x64xf32, #tpu.memory_space<vmem>> -> memref<128x64xf32, #tpu.memory_space<vmem>>
      %dma_wait3A_551 = arith.constant 0 : i32
      %dma_wait3A_552 = tpu.memref_slice %arg4[%mul3A_2, %dma_wait3A_551] : memref<819200x128xf32, #tpu.memory_space<hbm>> -> memref<128x64xf32, #tpu.memory_space<hbm>>
      %dma_wait3A_553 = tpu.memref_slice %arg9[%dma_wait3A_546] : memref<8x!tpu.dma_semaphore, #tpu.memory_space<semaphore_mem>> -> memref<1x!tpu.dma_semaphore, #tpu.memory_space<semaphore_mem>>
      %dma_wait3A_554 = tpu.memref_squeeze %dma_wait3A_553 : memref<1x!tpu.dma_semaphore, #tpu.memory_space<semaphore_mem>> -> memref<!tpu.dma_semaphore, #tpu.memory_space<semaphore_mem>>
      %dma_wait3A_555 = arith.constant 0 : i32
      %dma_wait3A_556 = tpu.memref_slice %arg4[%mul3A_2, %dma_wait3A_555] : memref<819200x128xf32, #tpu.memory_space<hbm>> -> memref<128x64xf32, #tpu.memory_space<hbm>>
      %dma_wait3A_557 = arith.constant 0 : i32
      %dma_wait3A_558 = arith.constant 0 : i32
      %dma_wait3A_559 = tpu.memref_slice %arg7[%dma_wait3A_545, %dma_wait3A_557, %dma_wait3A_558] : memref<8x128x64xf32, #tpu.memory_space<vmem>> -> memref<1x128x64xf32, #tpu.memory_space<vmem>>
      %dma_wait3A_560 = tpu.memref_squeeze %dma_wait3A_559 : memref<1x128x64xf32, #tpu.memory_space<vmem>> -> memref<128x64xf32, #tpu.memory_space<vmem>>
      tpu.wait_dma2 semaphore(%dma_wait3A_554 : memref<!tpu.dma_semaphore, #tpu.memory_space<semaphore_mem>>) src(%dma_wait3A_560 : memref<128x64xf32, #tpu.memory_space<vmem>>) dst(%dma_wait3A_556 : memref<128x64xf32, #tpu.memory_space<hbm>>)
      %add3A_561 = arith.constant 8 : i32
      %add3A_562 = arith.addi %add3A_544, %add3A_561 : i32
      %lt3A_563 = arith.constant 200 : i32
      %lt3A_564 = arith.cmpi slt, %add3A_562, %lt3A_563 : i32
      %convert_element_type3A_565 = arith.extui %lt3A_564 : i1 to i32
      %cond3A_566 = arith.constant 0 : i32
      %cond3A_567 = arith.cmpi ne, %convert_element_type3A_565, %cond3A_566 : i32
      scf.if %cond3A_567 {
        %dma_start3A_649 = arith.constant 4 : i32
        %dma_start3A_650 = arith.constant 4 : i32
        %dma_start3A_651 = arith.constant 0 : i32
        %dma_start3A_652 = arith.constant 0 : i32
        %dma_start3A_653 = tpu.memref_slice %arg7[%dma_start3A_649, %dma_start3A_651, %dma_start3A_652] : memref<8x128x64xf32, #tpu.memory_space<vmem>> -> memref<1x128x64xf32, #tpu.memory_space<vmem>>
        %dma_start3A_654 = tpu.memref_squeeze %dma_start3A_653 : memref<1x128x64xf32, #tpu.memory_space<vmem>> -> memref<128x64xf32, #tpu.memory_space<vmem>>
        %dma_start3A_655 = arith.constant 0 : i32
        %dma_start3A_656 = tpu.memref_slice %arg5[%add3A_562, %dma_start3A_655] : memref<200x128xi32, #tpu.memory_space<vmem>> -> memref<1x128xi32, #tpu.memory_space<vmem>>
        %dma_start3A_657 = tpu.memref_squeeze %dma_start3A_656 : memref<1x128xi32, #tpu.memory_space<vmem>> -> memref<128xi32, #tpu.memory_space<vmem>>
        %dma_start3A_658 = arith.constant 0 : i32
        %dma_start3A_659 = arith.constant 0 : i32
        %dma_start3A_660 = tpu.memref_slice %arg6[%dma_start3A_658, %dma_start3A_659] : memref<1000x64xf32, #tpu.memory_space<vmem_shared>> -> memref<1000x64xf32, #tpu.memory_space<vmem_shared>>
        %dma_start3A_661 = tpu.memref_slice %arg8[%dma_start3A_650] : memref<8x!tpu.dma_semaphore, #tpu.memory_space<semaphore_mem>> -> memref<1x!tpu.dma_semaphore, #tpu.memory_space<semaphore_mem>>
        %dma_start3A_662 = tpu.memref_squeeze %dma_start3A_661 : memref<1x!tpu.dma_semaphore, #tpu.memory_space<semaphore_mem>> -> memref<!tpu.dma_semaphore, #tpu.memory_space<semaphore_mem>>
        tpu.enqueue_indirect_dma source(%dma_start3A_660 : memref<1000x64xf32, #tpu.memory_space<vmem_shared>>) target(%dma_start3A_654 : memref<128x64xf32, #tpu.memory_space<vmem>>) offsets(%dma_start3A_657 : memref<128xi32, #tpu.memory_space<vmem>>) semaphore(%dma_start3A_662 : memref<!tpu.dma_semaphore, #tpu.memory_space<semaphore_mem>>)
      } else {
      }
      %mul3A_568 = arith.constant 8 : i32
      %mul3A_569 = arith.muli %scan3A_130, %mul3A_568 : i32
      %add3A_570 = arith.constant 5 : i32
      %add3A_571 = arith.addi %mul3A_569, %add3A_570 : i32
      %dma_wait3A_572 = arith.constant 5 : i32
      %dma_wait3A_573 = arith.constant 5 : i32
      %dma_wait3A_574 = arith.constant 0 : i32
      %dma_wait3A_575 = arith.constant 0 : i32
      %dma_wait3A_576 = tpu.memref_slice %arg7[%dma_wait3A_572, %dma_wait3A_574, %dma_wait3A_575] : memref<8x128x64xf32, #tpu.memory_space<vmem>> -> memref<1x128x64xf32, #tpu.memory_space<vmem>>
      %dma_wait3A_577 = tpu.memref_squeeze %dma_wait3A_576 : memref<1x128x64xf32, #tpu.memory_space<vmem>> -> memref<128x64xf32, #tpu.memory_space<vmem>>
      %dma_wait3A_578 = arith.constant 0 : i32
      %dma_wait3A_579 = tpu.memref_slice %arg4[%mul3A_2, %dma_wait3A_578] : memref<819200x128xf32, #tpu.memory_space<hbm>> -> memref<128x64xf32, #tpu.memory_space<hbm>>
      %dma_wait3A_580 = tpu.memref_slice %arg9[%dma_wait3A_573] : memref<8x!tpu.dma_semaphore, #tpu.memory_space<semaphore_mem>> -> memref<1x!tpu.dma_semaphore, #tpu.memory_space<semaphore_mem>>
      %dma_wait3A_581 = tpu.memref_squeeze %dma_wait3A_580 : memref<1x!tpu.dma_semaphore, #tpu.memory_space<semaphore_mem>> -> memref<!tpu.dma_semaphore, #tpu.memory_space<semaphore_mem>>
      %dma_wait3A_582 = arith.constant 0 : i32
      %dma_wait3A_583 = tpu.memref_slice %arg4[%mul3A_2, %dma_wait3A_582] : memref<819200x128xf32, #tpu.memory_space<hbm>> -> memref<128x64xf32, #tpu.memory_space<hbm>>
      %dma_wait3A_584 = arith.constant 0 : i32
      %dma_wait3A_585 = arith.constant 0 : i32
      %dma_wait3A_586 = tpu.memref_slice %arg7[%dma_wait3A_572, %dma_wait3A_584, %dma_wait3A_585] : memref<8x128x64xf32, #tpu.memory_space<vmem>> -> memref<1x128x64xf32, #tpu.memory_space<vmem>>
      %dma_wait3A_587 = tpu.memref_squeeze %dma_wait3A_586 : memref<1x128x64xf32, #tpu.memory_space<vmem>> -> memref<128x64xf32, #tpu.memory_space<vmem>>
      tpu.wait_dma2 semaphore(%dma_wait3A_581 : memref<!tpu.dma_semaphore, #tpu.memory_space<semaphore_mem>>) src(%dma_wait3A_587 : memref<128x64xf32, #tpu.memory_space<vmem>>) dst(%dma_wait3A_583 : memref<128x64xf32, #tpu.memory_space<hbm>>)
      %add3A_588 = arith.constant 8 : i32
      %add3A_589 = arith.addi %add3A_571, %add3A_588 : i32
      %lt3A_590 = arith.constant 200 : i32
      %lt3A_591 = arith.cmpi slt, %add3A_589, %lt3A_590 : i32
      %convert_element_type3A_592 = arith.extui %lt3A_591 : i1 to i32
      %cond3A_593 = arith.constant 0 : i32
      %cond3A_594 = arith.cmpi ne, %convert_element_type3A_592, %cond3A_593 : i32
      scf.if %cond3A_594 {
        %dma_start3A_649 = arith.constant 5 : i32
        %dma_start3A_650 = arith.constant 5 : i32
        %dma_start3A_651 = arith.constant 0 : i32
        %dma_start3A_652 = arith.constant 0 : i32
        %dma_start3A_653 = tpu.memref_slice %arg7[%dma_start3A_649, %dma_start3A_651, %dma_start3A_652] : memref<8x128x64xf32, #tpu.memory_space<vmem>> -> memref<1x128x64xf32, #tpu.memory_space<vmem>>
        %dma_start3A_654 = tpu.memref_squeeze %dma_start3A_653 : memref<1x128x64xf32, #tpu.memory_space<vmem>> -> memref<128x64xf32, #tpu.memory_space<vmem>>
        %dma_start3A_655 = arith.constant 0 : i32
        %dma_start3A_656 = tpu.memref_slice %arg5[%add3A_589, %dma_start3A_655] : memref<200x128xi32, #tpu.memory_space<vmem>> -> memref<1x128xi32, #tpu.memory_space<vmem>>
        %dma_start3A_657 = tpu.memref_squeeze %dma_start3A_656 : memref<1x128xi32, #tpu.memory_space<vmem>> -> memref<128xi32, #tpu.memory_space<vmem>>
        %dma_start3A_658 = arith.constant 0 : i32
        %dma_start3A_659 = arith.constant 0 : i32
        %dma_start3A_660 = tpu.memref_slice %arg6[%dma_start3A_658, %dma_start3A_659] : memref<1000x64xf32, #tpu.memory_space<vmem_shared>> -> memref<1000x64xf32, #tpu.memory_space<vmem_shared>>
        %dma_start3A_661 = tpu.memref_slice %arg8[%dma_start3A_650] : memref<8x!tpu.dma_semaphore, #tpu.memory_space<semaphore_mem>> -> memref<1x!tpu.dma_semaphore, #tpu.memory_space<semaphore_mem>>
        %dma_start3A_662 = tpu.memref_squeeze %dma_start3A_661 : memref<1x!tpu.dma_semaphore, #tpu.memory_space<semaphore_mem>> -> memref<!tpu.dma_semaphore, #tpu.memory_space<semaphore_mem>>
        tpu.enqueue_indirect_dma source(%dma_start3A_660 : memref<1000x64xf32, #tpu.memory_space<vmem_shared>>) target(%dma_start3A_654 : memref<128x64xf32, #tpu.memory_space<vmem>>) offsets(%dma_start3A_657 : memref<128xi32, #tpu.memory_space<vmem>>) semaphore(%dma_start3A_662 : memref<!tpu.dma_semaphore, #tpu.memory_space<semaphore_mem>>)
      } else {
      }
      %mul3A_595 = arith.constant 8 : i32
      %mul3A_596 = arith.muli %scan3A_130, %mul3A_595 : i32
      %add3A_597 = arith.constant 6 : i32
      %add3A_598 = arith.addi %mul3A_596, %add3A_597 : i32
      %dma_wait3A_599 = arith.constant 6 : i32
      %dma_wait3A_600 = arith.constant 6 : i32
      %dma_wait3A_601 = arith.constant 0 : i32
      %dma_wait3A_602 = arith.constant 0 : i32
      %dma_wait3A_603 = tpu.memref_slice %arg7[%dma_wait3A_599, %dma_wait3A_601, %dma_wait3A_602] : memref<8x128x64xf32, #tpu.memory_space<vmem>> -> memref<1x128x64xf32, #tpu.memory_space<vmem>>
      %dma_wait3A_604 = tpu.memref_squeeze %dma_wait3A_603 : memref<1x128x64xf32, #tpu.memory_space<vmem>> -> memref<128x64xf32, #tpu.memory_space<vmem>>
      %dma_wait3A_605 = arith.constant 0 : i32
      %dma_wait3A_606 = tpu.memref_slice %arg4[%mul3A_2, %dma_wait3A_605] : memref<819200x128xf32, #tpu.memory_space<hbm>> -> memref<128x64xf32, #tpu.memory_space<hbm>>
      %dma_wait3A_607 = tpu.memref_slice %arg9[%dma_wait3A_600] : memref<8x!tpu.dma_semaphore, #tpu.memory_space<semaphore_mem>> -> memref<1x!tpu.dma_semaphore, #tpu.memory_space<semaphore_mem>>
      %dma_wait3A_608 = tpu.memref_squeeze %dma_wait3A_607 : memref<1x!tpu.dma_semaphore, #tpu.memory_space<semaphore_mem>> -> memref<!tpu.dma_semaphore, #tpu.memory_space<semaphore_mem>>
      %dma_wait3A_609 = arith.constant 0 : i32
      %dma_wait3A_610 = tpu.memref_slice %arg4[%mul3A_2, %dma_wait3A_609] : memref<819200x128xf32, #tpu.memory_space<hbm>> -> memref<128x64xf32, #tpu.memory_space<hbm>>
      %dma_wait3A_611 = arith.constant 0 : i32
      %dma_wait3A_612 = arith.constant 0 : i32
      %dma_wait3A_613 = tpu.memref_slice %arg7[%dma_wait3A_599, %dma_wait3A_611, %dma_wait3A_612] : memref<8x128x64xf32, #tpu.memory_space<vmem>> -> memref<1x128x64xf32, #tpu.memory_space<vmem>>
      %dma_wait3A_614 = tpu.memref_squeeze %dma_wait3A_613 : memref<1x128x64xf32, #tpu.memory_space<vmem>> -> memref<128x64xf32, #tpu.memory_space<vmem>>
      tpu.wait_dma2 semaphore(%dma_wait3A_608 : memref<!tpu.dma_semaphore, #tpu.memory_space<semaphore_mem>>) src(%dma_wait3A_614 : memref<128x64xf32, #tpu.memory_space<vmem>>) dst(%dma_wait3A_610 : memref<128x64xf32, #tpu.memory_space<hbm>>)
      %add3A_615 = arith.constant 8 : i32
      %add3A_616 = arith.addi %add3A_598, %add3A_615 : i32
      %lt3A_617 = arith.constant 200 : i32
      %lt3A_618 = arith.cmpi slt, %add3A_616, %lt3A_617 : i32
      %convert_element_type3A_619 = arith.extui %lt3A_618 : i1 to i32
      %cond3A_620 = arith.constant 0 : i32
      %cond3A_621 = arith.cmpi ne, %convert_element_type3A_619, %cond3A_620 : i32
      scf.if %cond3A_621 {
        %dma_start3A_649 = arith.constant 6 : i32
        %dma_start3A_650 = arith.constant 6 : i32
        %dma_start3A_651 = arith.constant 0 : i32
        %dma_start3A_652 = arith.constant 0 : i32
        %dma_start3A_653 = tpu.memref_slice %arg7[%dma_start3A_649, %dma_start3A_651, %dma_start3A_652] : memref<8x128x64xf32, #tpu.memory_space<vmem>> -> memref<1x128x64xf32, #tpu.memory_space<vmem>>
        %dma_start3A_654 = tpu.memref_squeeze %dma_start3A_653 : memref<1x128x64xf32, #tpu.memory_space<vmem>> -> memref<128x64xf32, #tpu.memory_space<vmem>>
        %dma_start3A_655 = arith.constant 0 : i32
        %dma_start3A_656 = tpu.memref_slice %arg5[%add3A_616, %dma_start3A_655] : memref<200x128xi32, #tpu.memory_space<vmem>> -> memref<1x128xi32, #tpu.memory_space<vmem>>
        %dma_start3A_657 = tpu.memref_squeeze %dma_start3A_656 : memref<1x128xi32, #tpu.memory_space<vmem>> -> memref<128xi32, #tpu.memory_space<vmem>>
        %dma_start3A_658 = arith.constant 0 : i32
        %dma_start3A_659 = arith.constant 0 : i32
        %dma_start3A_660 = tpu.memref_slice %arg6[%dma_start3A_658, %dma_start3A_659] : memref<1000x64xf32, #tpu.memory_space<vmem_shared>> -> memref<1000x64xf32, #tpu.memory_space<vmem_shared>>
        %dma_start3A_661 = tpu.memref_slice %arg8[%dma_start3A_650] : memref<8x!tpu.dma_semaphore, #tpu.memory_space<semaphore_mem>> -> memref<1x!tpu.dma_semaphore, #tpu.memory_space<semaphore_mem>>
        %dma_start3A_662 = tpu.memref_squeeze %dma_start3A_661 : memref<1x!tpu.dma_semaphore, #tpu.memory_space<semaphore_mem>> -> memref<!tpu.dma_semaphore, #tpu.memory_space<semaphore_mem>>
        tpu.enqueue_indirect_dma source(%dma_start3A_660 : memref<1000x64xf32, #tpu.memory_space<vmem_shared>>) target(%dma_start3A_654 : memref<128x64xf32, #tpu.memory_space<vmem>>) offsets(%dma_start3A_657 : memref<128xi32, #tpu.memory_space<vmem>>) semaphore(%dma_start3A_662 : memref<!tpu.dma_semaphore, #tpu.memory_space<semaphore_mem>>)
      } else {
      }
      %mul3A_622 = arith.constant 8 : i32
      %mul3A_623 = arith.muli %scan3A_130, %mul3A_622 : i32
      %add3A_624 = arith.constant 7 : i32
      %add3A_625 = arith.addi %mul3A_623, %add3A_624 : i32
      %dma_wait3A_626 = arith.constant 7 : i32
      %dma_wait3A_627 = arith.constant 7 : i32
      %dma_wait3A_628 = arith.constant 0 : i32
      %dma_wait3A_629 = arith.constant 0 : i32
      %dma_wait3A_630 = tpu.memref_slice %arg7[%dma_wait3A_626, %dma_wait3A_628, %dma_wait3A_629] : memref<8x128x64xf32, #tpu.memory_space<vmem>> -> memref<1x128x64xf32, #tpu.memory_space<vmem>>
      %dma_wait3A_631 = tpu.memref_squeeze %dma_wait3A_630 : memref<1x128x64xf32, #tpu.memory_space<vmem>> -> memref<128x64xf32, #tpu.memory_space<vmem>>
      %dma_wait3A_632 = arith.constant 0 : i32
      %dma_wait3A_633 = tpu.memref_slice %arg4[%mul3A_2, %dma_wait3A_632] : memref<819200x128xf32, #tpu.memory_space<hbm>> -> memref<128x64xf32, #tpu.memory_space<hbm>>
      %dma_wait3A_634 = tpu.memref_slice %arg9[%dma_wait3A_627] : memref<8x!tpu.dma_semaphore, #tpu.memory_space<semaphore_mem>> -> memref<1x!tpu.dma_semaphore, #tpu.memory_space<semaphore_mem>>
      %dma_wait3A_635 = tpu.memref_squeeze %dma_wait3A_634 : memref<1x!tpu.dma_semaphore, #tpu.memory_space<semaphore_mem>> -> memref<!tpu.dma_semaphore, #tpu.memory_space<semaphore_mem>>
      %dma_wait3A_636 = arith.constant 0 : i32
      %dma_wait3A_637 = tpu.memref_slice %arg4[%mul3A_2, %dma_wait3A_636] : memref<819200x128xf32, #tpu.memory_space<hbm>> -> memref<128x64xf32, #tpu.memory_space<hbm>>
      %dma_wait3A_638 = arith.constant 0 : i32
      %dma_wait3A_639 = arith.constant 0 : i32
      %dma_wait3A_640 = tpu.memref_slice %arg7[%dma_wait3A_626, %dma_wait3A_638, %dma_wait3A_639] : memref<8x128x64xf32, #tpu.memory_space<vmem>> -> memref<1x128x64xf32, #tpu.memory_space<vmem>>
      %dma_wait3A_641 = tpu.memref_squeeze %dma_wait3A_640 : memref<1x128x64xf32, #tpu.memory_space<vmem>> -> memref<128x64xf32, #tpu.memory_space<vmem>>
      tpu.wait_dma2 semaphore(%dma_wait3A_635 : memref<!tpu.dma_semaphore, #tpu.memory_space<semaphore_mem>>) src(%dma_wait3A_641 : memref<128x64xf32, #tpu.memory_space<vmem>>) dst(%dma_wait3A_637 : memref<128x64xf32, #tpu.memory_space<hbm>>)
      %add3A_642 = arith.constant 8 : i32
      %add3A_643 = arith.addi %add3A_625, %add3A_642 : i32
      %lt3A_644 = arith.constant 200 : i32
      %lt3A_645 = arith.cmpi slt, %add3A_643, %lt3A_644 : i32
      %convert_element_type3A_646 = arith.extui %lt3A_645 : i1 to i32
      %cond3A_647 = arith.constant 0 : i32
      %cond3A_648 = arith.cmpi ne, %convert_element_type3A_646, %cond3A_647 : i32
      scf.if %cond3A_648 {
        %dma_start3A_649 = arith.constant 7 : i32
        %dma_start3A_650 = arith.constant 7 : i32
        %dma_start3A_651 = arith.constant 0 : i32
        %dma_start3A_652 = arith.constant 0 : i32
        %dma_start3A_653 = tpu.memref_slice %arg7[%dma_start3A_649, %dma_start3A_651, %dma_start3A_652] : memref<8x128x64xf32, #tpu.memory_space<vmem>> -> memref<1x128x64xf32, #tpu.memory_space<vmem>>
        %dma_start3A_654 = tpu.memref_squeeze %dma_start3A_653 : memref<1x128x64xf32, #tpu.memory_space<vmem>> -> memref<128x64xf32, #tpu.memory_space<vmem>>
        %dma_start3A_655 = arith.constant 0 : i32
        %dma_start3A_656 = tpu.memref_slice %arg5[%add3A_643, %dma_start3A_655] : memref<200x128xi32, #tpu.memory_space<vmem>> -> memref<1x128xi32, #tpu.memory_space<vmem>>
        %dma_start3A_657 = tpu.memref_squeeze %dma_start3A_656 : memref<1x128xi32, #tpu.memory_space<vmem>> -> memref<128xi32, #tpu.memory_space<vmem>>
        %dma_start3A_658 = arith.constant 0 : i32
        %dma_start3A_659 = arith.constant 0 : i32
        %dma_start3A_660 = tpu.memref_slice %arg6[%dma_start3A_658, %dma_start3A_659] : memref<1000x64xf32, #tpu.memory_space<vmem_shared>> -> memref<1000x64xf32, #tpu.memory_space<vmem_shared>>
        %dma_start3A_661 = tpu.memref_slice %arg8[%dma_start3A_650] : memref<8x!tpu.dma_semaphore, #tpu.memory_space<semaphore_mem>> -> memref<1x!tpu.dma_semaphore, #tpu.memory_space<semaphore_mem>>
        %dma_start3A_662 = tpu.memref_squeeze %dma_start3A_661 : memref<1x!tpu.dma_semaphore, #tpu.memory_space<semaphore_mem>> -> memref<!tpu.dma_semaphore, #tpu.memory_space<semaphore_mem>>
        tpu.enqueue_indirect_dma source(%dma_start3A_660 : memref<1000x64xf32, #tpu.memory_space<vmem_shared>>) target(%dma_start3A_654 : memref<128x64xf32, #tpu.memory_space<vmem>>) offsets(%dma_start3A_657 : memref<128xi32, #tpu.memory_space<vmem>>) semaphore(%dma_start3A_662 : memref<!tpu.dma_semaphore, #tpu.memory_space<semaphore_mem>>)
      } else {
      }
    }
    %scan3A_129 = arith.constant 25 : i32
    return
  }
}

</mosaic_0001>

<sc_bundles>
// kernel: _run.3.cloned.1.call-start
scs
__scs_entry_jumppad:
0x0: {  	(pc) =	sbr.rel $0x88, $3  }
0x1: {  	(tag) =	ssettag $0x0;
	lr =	simm.s32 $0x1  }
0x2: {  	[smem:$0x3F9F] =	sst lr;
	_ =	strace $0xD0000000  }
0x3: {  	_ = 	snop  }
0x4: {  	_ = 	snop  }
0x5: {  	_ = 	snop  }
0x6: {  	_ = 	snop  }
0x7: {  	_ = 	snop  }
__scs_overlays_trampoline_lowered:
0x8: {  	[smem:$0x3FAE] =	sst s0  }
0x9: {  	[smem:$0x3FAF] =	sst s1  }
0xa: {  	[smem:$0x3FB0] =	sst s2  }
0xb: {  	[smem:$0x3FB1] =	sst s3  }
0xc: {  	[smem:$0x3FB2] =	sst s4  }
0xd: {  	[smem:$0x3FB3] =	sst s5  }
0xe: {  	[smem:$0x3FB4] =	sst s6  }
0xf: {  	[smem:$0x3FB5] =	sst s7  }
0x10: {  	[smem:$0x3FB6] =	sst s8  }
0x11: {  	[smem:$0x3FB7] =	sst s9;
	s0 =	simm.s32 @!p0 $0x0  }
0x12: {  	s1 =	sld [smem:$0x3F9D];
	s0 =	simm.s32 @p0 $0x1  }
0x13: {  	[smem:$0x3FB8] =	sst s0;
	s0 =	simm.s32 @!p1 $0x0  }
0x14: {  	s2 =	sld [smem:$0x3F9C];
	s0 =	simm.s32 @p1 $0x1  }
0x15: {  	[smem:$0x3FB9] =	sst s0;
	s0 =	simm.s32 @!p2 $0x0  }
0x16: {  	s3 =	sld [smem:$0x3FDB];
	s0 =	simm.s32 @p2 $0x1  }
0x17: {  	s4 =	simm.s32 $0x1BF5;
	[smem:$0x3FBB] =	sst s0  }
0x18: {  	s0 =	sld [smem:$0x3F9E];
	_ =	swait.ge [sflag:s4], $0x0  }
0x19: {  	s7 =	sld [smem:$0x3F9F]  }
0x1a: {  	s8 =	sadd.s32 $0xFFFFE003, lr  }
0x1b: {  	s9 =	sadd.s32 $0xFFFFFEF7, lr;
	s5 =	simm.s32 $0xFFFFFFFF;
	p2 =	slt.u32 s8, $0xFFFFF086  }
0x1c: {  	p1 =	slt.u32 s9, $0xF7A;
	s5 =	simm.s32 @!p2 $0x0  }
0x1d: {  	s5 =	simm.s32 @p1 $0x1;
	p0 =	seq.s32 s7, s2  }
0x1e: {  	s7 =	smul.u32 @!p0 $0xF7A, s2;
	p2 =	seq.s32 @!p0 s5, $0x0  }
0x1f: {  	s9 =	smul.u32 $0xF7A, s1;
	s8 =	simm.s32 @!p0 $0x1BF5;
	p2 =	por !p2, p0  }
0x20: {  	[sflag:s8] =	ssyncset.s32 @!p0 $0xFFFFF086;
	s6 =	sadd.s32 @!p0 s3, s7;
	s7 =	simm.s32 @!p0 $0x108  }
0x21: {  	s3 =	sadd.s32 s3, s9;
	s6 =	sadd.s32 @!p0 $0x88, s6;
	s7 =	simm.s32 @p2 $0x1082  }
0x22: {  	[simem:s7], [sflag:s8] =	dma.local @!p0 [hbm:s6], $0xF7A  }
0x23: {  	s9 =	sor.u32 $0xD0000000, s2;
	s6 =	simm.s32 $0x108;
	_ =	swait.ge @!p0 [sflag:s8], $0x0  }
0x24: {  	s3 =	sadd.s32 $0x88, s3;
	s6 =	simm.s32 @!p1 $0x1082;
	[sflag:s4] =	ssyncset.s32 $0xFFFFF086  }
0x25: {  	[simem:s6], [sflag:s4] =	dma.local [hbm:s3], $0xF7A  }
0x26: {  	[smem:$0x3F9F] =	sst s1;
	(tag) =	ssettag s2;
	_ =	strace s9  }
0x27: {  	s1 =	sld [smem:$0x3FAF]  }
0x28: {  	s2 =	sld [smem:$0x3FB0]  }
0x29: {  	s4 =	sld [smem:$0x3FB2]  }
0x2a: {  	p0 =	seq.s32 s5, $0x0;
	s5 =	sld [smem:$0x3FB3]  }
0x2b: {  	s6 =	sld [smem:$0x3FB4]  }
0x2c: {  	s7 =	sld [smem:$0x3FB5]  }
0x2d: {  	s3 =	simm.s32 $0x108;
	s8 =	sld [smem:$0x3FB6]  }
0x2e: {  	s3 =	simm.s32 @!p0 $0x1082;
	s9 =	sld [smem:$0x3FB7]  }
0x2f: {  	lr =	sadd.s32 s0, s3;
	s0 =	sld [smem:$0x3FAE]  }
0x30: {  	s3 =	sld [smem:$0x3FB1]  }
0x31: {  	[smem:$0x3FBA] =	sst s10  }
0x32: {  	s10 =	sld [smem:$0x3FB8];
	_ =	sdelay $0x3  }
0x33: {  	p0 =	seq.s32 s10, $0x1;
	s10 =	sld [smem:$0x3FBA];
	_ =	sdelay $0x3  }
0x34: {  	[smem:$0x3FBA] =	sst s10  }
0x35: {  	s10 =	sld [smem:$0x3FB9];
	_ =	sdelay $0x3  }
0x36: {  	p1 =	seq.s32 s10, $0x1;
	s10 =	sld [smem:$0x3FBA];
	_ =	sdelay $0x3  }
0x37: {  	[smem:$0x3FBA] =	sst s10  }
0x38: {  	s10 =	sld [smem:$0x3FBB]  }
0x39: {  	_ = 	snop;
	(pc) =	sbr.ind lr, $3  }
0x3a: {  	_ = 	snop  }
0x3b: {  	_ = 	snop  }
0x3c: {  	p2 =	seq.s32 s10, $0x1;
	s10 =	sld [smem:$0x3FBA]  }
0x3d: {  	_ =	shalt  }
0x3e: {  	_ =	shalt  }
0x3f: {  	_ =	shalt  }
0x40: {  	_ =	shalt  }
0x41: {  	_ =	shalt  }
0x42: {  	_ =	shalt  }
0x43: {  	_ =	shalt  }
0x44: {  	_ =	shalt  }
0x45: {  	_ =	shalt  }
0x46: {  	_ =	shalt  }
0x47: {  	_ =	shalt  }
0x48: {  	_ =	shalt  }
0x49: {  	_ =	shalt  }
0x4a: {  	_ =	shalt  }
0x4b: {  	_ =	shalt  }
0x4c: {  	_ =	shalt  }
0x4d: {  	_ =	shalt  }
0x4e: {  	_ =	shalt  }
0x4f: {  	_ =	shalt  }
0x50: {  	_ =	shalt  }
0x51: {  	_ =	shalt  }
0x52: {  	_ =	shalt  }
0x53: {  	_ =	shalt  }
0x54: {  	_ =	shalt  }
0x55: {  	_ =	shalt  }
0x56: {  	_ =	shalt  }
0x57: {  	_ =	shalt  }
0x58: {  	_ =	shalt  }
0x59: {  	_ =	shalt  }
0x5a: {  	_ =	shalt  }
0x5b: {  	_ =	shalt  }
0x5c: {  	_ =	shalt  }
0x5d: {  	_ =	shalt  }
0x5e: {  	_ =	shalt  }
0x5f: {  	_ =	shalt  }
0x60: {  	_ =	shalt  }
0x61: {  	_ =	shalt  }
0x62: {  	_ =	shalt  }
0x63: {  	_ =	shalt  }
0x64: {  	_ =	shalt  }
0x65: {  	_ =	shalt  }
0x66: {  	_ =	shalt  }
0x67: {  	_ =	shalt  }
0x68: {  	_ =	shalt  }
0x69: {  	_ =	shalt  }
0x6a: {  	_ =	shalt  }
0x6b: {  	_ =	shalt  }
0x6c: {  	_ =	shalt  }
0x6d: {  	_ =	shalt  }
0x6e: {  	_ =	shalt  }
0x6f: {  	_ =	shalt  }
0x70: {  	_ =	shalt  }
0x71: {  	_ =	shalt  }
0x72: {  	_ =	shalt  }
0x73: {  	_ =	shalt  }
0x74: {  	_ =	shalt  }
0x75: {  	_ =	shalt  }
0x76: {  	_ =	shalt  }
0x77: {  	_ =	shalt  }
0x78: {  	_ =	shalt  }
0x79: {  	_ =	shalt  }
0x7a: {  	_ =	shalt  }
0x7b: {  	_ =	shalt  }
0x7c: {  	_ =	shalt  }
0x7d: {  	_ =	shalt  }
0x7e: {  	_ =	shalt  }
0x7f: {  	_ =	shalt  }
0x80: {  	_ =	shalt  }
0x81: {  	_ =	shalt  }
0x82: {  	_ =	shalt  }
0x83: {  	_ =	shalt  }
0x84: {  	_ =	shalt  }
0x85: {  	_ =	shalt  }
0x86: {  	_ =	shalt  }
0x87: {  	_ =	shalt  }
.Lfunc_end0:
.L_simem_size_0:
called_computation.1_lowered:
.L_overlay_start_0:
0x88: {  	s2 =	sld [smem:$0x3FD9]  }
0x89: {  	s3 =	sld [smem:$0x3FFE];
	_ =	sdelay $0x1  }
0x8a: {  	s1 =	srdreg.scid  }
0x8b: {  	s0 =	sand.u32 $0x1, s1  }
0x8c: {  	s17 =	sshll.u32 s0, $0xA;
	s2 =	sadd.s32 s3, s2  }
0x8d: {  	s2 =	sadd.s32 s2, s17  }
0x8e: {  	[smem:$0x3FC6] =	sst s2  }
0x8f: {  	_ = 	snop  }
0x90: {  	s2 =	sld [smem:$0x3FD0];
	(tm) =	ssettm $0x1  }
0x91: {  	s18 =	sld [smem:$0x3FFB];
	_ =	sdelay $0x3  }
0x92: {  	_ =	strace s18  }
0x93: {  	s3 =	sld [smem:$0x3FFC];
	_ =	sdelay $0x3  }
0x94: {  	_ =	strace s3  }
0x95: {  	s3 =	sld [smem:$0x3FFD];
	_ =	sdelay $0x3  }
0x96: {  	_ =	strace s3  }
0x97: {  	_ =	strace $0x8FFFFFFF  }
0x98: {  	s19 =	sld [smem:$0x3FDB];
	_ =	sdelay $0x1  }
0x99: {  	s4 =	simm.s32 $_scs_section_size  }
0x9a: {  	s5 =	simm.s32 $_size__tile_overlayer_lowered;
	s6 =	simm.s32 $_tile_overlayer_lowered  }
0x9b: {  	s22 =	simm.s32 $0x1BFF;
	s21 =	sshll.u32 s6, $0x1;
	s3 =	sadd.s32 s4, s19  }
0x9c: {  	s7 =	simm.s32 $0x0;
	s20 =	sshll.u32 s5, $0x1;
	s5 =	sadd.s32 s21, s3  }
0x9d: {  	[timem:s7], [sflag:s22] =	dma.local [hbm:s5], s20  }
0x9e: {  	_ =	swait.ge [sflag:s22], s20  }
0x9f: {  	s4 =	ssub.s32 $0x0, s20;
	[sflag:s22] =	ssyncset.done $0x0  }
0xa0: {  	[sflag:s22] =	ssyncadd.s32 s4;
	_ =	sdelay $0x1  }
0xa1: {  	s23 =	simm.s32 $0x1B8B  }
0xa2: {  	_ =	swait.ge [sflag:s23], $0x1  }
0xa3: {  	[sflag:s23] =	ssyncset.done $0x0  }
0xa4: {  	s25 =	simm.s32 $0x1B8E;
	s24 =	sld [smem:$0x3FFE];
	[sflag:s23] =	ssyncadd.s32 $0xFFFFFFFF  }
0xa5: {  	s26 =	simm.s32 $execute0_lowered;
	[smem:$0x3FD2] =	sst s25  }
0xa6: {  	s5 =	sshll.u32 s26, $0x1;
	_ =	strace $0x80000046;
	[dreg:$0x1] =	wrdreg $0xFFFFFFFF  }
0xa7: {  	s28 =	simm.s32 $_size_execute0_lowered;
	s3 =	sadd.s32 s3, s5;
	[dreg:$0x0] =	wrdreg $0x0  }
0xa8: {  	s5 =	sshll.u32 s28, $0x1;
	[dreg:$0x2] =	wrdreg s3  }
0xa9: {  	[dreg:$0x3] =	wrdreg s5  }
0xaa: {  	[dreg:$0x4] =	wrdreg $0xC0  }
0xab: {  	_ =	task [dreg:s7], $0x5FFFF  }
0xac: {  	[dreg:$0x1] =	wrdreg $0xFFFFFFFF  }
0xad: {  	[dreg:$0x0] =	wrdreg $0x60  }
0xae: {  	[dreg:$0x2] =	wrdreg s2  }
0xaf: {  	[dreg:$0x3] =	wrdreg s24  }
0xb0: {  	[dreg:$0x4] =	wrdreg $0x64000  }
0xb1: {  	[dreg:$0x5] =	wrdreg $0x9  }
0xb2: {  	_ =	task.clear_ibuf [dreg:s7], $0x6FFFF;
	_ =	strace $0x90000046  }
0xb3: {  	s29 =	simm.s32 $0x9;
	_ =	strace $0x80000048  }
0xb4: {  	_ =	swait.ge [sflag:s29], $0x1  }
0xb5: {  	[sflag:s29] =	ssyncadd.s32 $0xFFFFFFFF  }
0xb6: {  	_ =	strace $0x90000048  }
0xb7: {  	_ =	sfence  }
0xb8: {  	s30 =	sld [smem:$0x0];
	_ =	sdelay $0x2  }
0xb9: {  	s31 =	sshll.u32 s1, $0xD;
	s1 =	sshrl.u32 s1, $0x2  }
0xba: {  	s3 =	sand.u32 $0x4000, s31;
	s1 =	sadd.s32 s1, s30  }
0xbb: {  	s0 =	sor.u32 s3, s0;
	s1 =	sshll.u32 s1, $0x11  }
0xbc: {  	s0 =	sor.u32 s1, s0  }
0xbd: {  	s0 =	sadd.s32 $0x8F2B, s0  }
0xbe: {  	[sflag:s0] =	ssyncadd.remote.s32 $0x1  }
0xbf: {  	_ =	sfence.sel $0xFFFF  }
0xc0: {  	[dreg:$0x0] =	wrdreg $0xFFFFFFFF;
	(pc) =	sbr.abs _section_cstart, $3  }
0xc1: {  	[dreg:$0x1] =	wrdreg $0xFFFFFFFF  }
0xc2: {  	_ =	task.clear_ibuf [dreg:s7], $0x2FFFF;
	_ =	strace $0x9FFFFFFF  }
0xc3: {  	(tm) =	ssettm $0x7FFFFFFF  }
tec
execute0_lowered:
.L_overlay_start_1:
0x0: {  	(tag) =	ssettag $0x1  }
0x1: {  	s0 =	srdreg.scid;
	s3 =	rddreg [dreg:$0x0]  }
0x2: {  	s2 =	stileid.u32;
	s4 =	rddreg [dreg:$0x1];
	s7 =	simm.s32 $0x0  }
0x3: {  	s28 =	simm.s32 $0x113A0;
	s30 =	simm.s32 $0x133A0;
	s29 =	simm.s32 $0x4  }
0x4: {  	s31 =	simm.s32 $0x5;
	s15 =	simm.s32 $0xB;
	s12 =	simm.s32 $0x0  }
0x5: {  	s0 =	sand.u32 $0x1, s0;
	s1 =	sshll.u32 s2, $0x1;
	s6 =	smul.u32 $0x640000, s2  }
0x6: {  	[smem:$0x7FF] =	sst s7;
	s16 =	smul.u32 $0xC800, s2;
	s10 =	sadd.s32 $0x800, s4  }
0x7: {  	s4 =	sadd.s32 $0x2800, s4;
	p0 =	sne.s32 s2, $0x0;
	s2 =	simm.s32 $0x6  }
0x8: {  	s5 =	sor.u32 s0, s1;
	s1 =	rddreg [dreg:$0x2];
	_ =	strace $0x80000047  }
0x9: {  	s8 =	ssub.s32 $0x2, s0;
	s9 =	smul.u32 $0x6400, s0;
	[dreg:$0x4] =	wrdreg s10  }
0xa: {  	s0 =	smul.u32 $0x320000, s0;
	[dreg:$0x5] =	wrdreg s4;
	s17 =	sshrl.u32 s8, $0x1  }
0xb: {  	s10 =	simm.s32 $0x10;
	s5 =	smul.u32 $0xC80, s5;
	s18 =	ssub.s32 s8, s17  }
0xc: {  	s7 =	sadd.s32 s9, s16;
	s0 =	sadd.s32 s0, s6;
	s17 =	simm.s32 $0x80  }
0xd: {  	s6 =	simm.s32 $0xA;
	s16 =	simm.s32 $0xC;
	s3 =	sadd.s32 s3, s5  }
0xe: {  	s8 =	simm.s32 $0xE;
	s4 =	smax.u32 s18, $0x1;
	[dreg:$0x6] =	wrdreg s3  }
0xf: {  	s19 =	sshll.u32 s7, $0x4;
	s0 =	sshrl.u32 s0, $0x3;
	[dreg:$0x7] =	wrdreg s4  }
0x10: {  	s9 =	simm.s32 $0xF;
	[dreg:$0x8] =	wrdreg s0;
	s20 =	sor.u32 $0x3800, s19  }
0x11: {  	s18 =	simm.s32 $0x73A0;
	s21 =	sor.u32 $0x3000, s19;
	[dreg:$0x9] =	wrdreg s20  }
0x12: {  	s5 =	simm.s32 $0x9;
	s22 =	sor.u32 $0x2800, s19;
	[dreg:$0xa] =	wrdreg s21  }
0x13: {  	s7 =	simm.s32 $0xD;
	s23 =	sor.u32 $0x2000, s19;
	[dreg:$0xb] =	wrdreg s22  }
0x14: {  	s24 =	sor.u32 $0x1800, s19;
	s25 =	sor.u32 $0x1000, s19;
	[dreg:$0xc] =	wrdreg s23  }
0x15: {  	s26 =	sor.u32 $0x800, s19;
	s0 =	sshrl.u32 @!p0 s1, $0x3;
	[dreg:$0xd] =	wrdreg s24  }
.Ltmp0:
0x16: {  	s19 =	simm.s32 $0x93A0;
	[dreg:$0xe] =	wrdreg s25;
	(pc) =	sbr.rel .LBB2_1-.Ltmp0, $4  }
0x17: {  	s3 =	simm.s32 $0x7;
	s4 =	simm.s32 $0x8;
	[dreg:$0xf] =	wrdreg s26  }
0x18: {  	[dreg:$0x10] =	wrdreg s0;
	s21 =	simm.s32 $0xB3A0;
	s23 =	simm.s32 $0xD3A0  }
0x19: {  	s25 =	simm.s32 $0xF3A0;
	s0 =	simm.s32 $0x153A0;
	s20 =	simm.s32 $0x1  }
0x1a: {  	s22 =	simm.s32 $0x40;
	s24 =	simm.s32 $0x2;
	s26 =	simm.s32 $0x3  }
.LBB2_4:
0x1b: {  	_ =	swait.ge [sflag:s6], $0x2000  }
0x1c: {  	[sflag:s6] =	ssyncset.done $0x0  }
0x1d: {  	[sflag:s6] =	ssyncadd.s32 $0xFFFFE000  }
0x1e: {  	_ =	swait.ge [sflag:s15], $0x2000  }
0x1f: {  	[sflag:s15] =	ssyncset.done $0x0  }
0x20: {  	[sflag:s15] =	ssyncadd.s32 $0xFFFFE000  }
0x21: {  	_ =	swait.ge [sflag:s16], $0x2000  }
0x22: {  	[sflag:s16] =	ssyncset.done $0x0  }
0x23: {  	[sflag:s16] =	ssyncadd.s32 $0xFFFFE000  }
0x24: {  	_ =	swait.ge [sflag:s7], $0x2000  }
0x25: {  	[sflag:s7] =	ssyncset.done $0x0  }
0x26: {  	[sflag:s7] =	ssyncadd.s32 $0xFFFFE000  }
0x27: {  	_ =	swait.ge [sflag:s8], $0x2000  }
0x28: {  	[sflag:s8] =	ssyncset.done $0x0  }
0x29: {  	[sflag:s8] =	ssyncadd.s32 $0xFFFFE000  }
0x2a: {  	_ =	swait.ge [sflag:s9], $0x2000  }
0x2b: {  	[sflag:s9] =	ssyncset.done $0x0  }
0x2c: {  	[sflag:s9] =	ssyncadd.s32 $0xFFFFE000  }
0x2d: {  	_ =	swait.ge [sflag:s10], $0x2000  }
0x2e: {  	s12 =	rddreg [dreg:$0x11]  }
0x2f: {  	s11 =	rddreg [dreg:$0x7];
	s12 =	sadd.s32 $0x1, s12  }
0x30: {  	p1 =	sne.s32 s12, s11  }
.Ltmp1:
0x31: {  	_ = 	snop;
	(pc) =	sbr.rel @!p1 .LBB2_5-.Ltmp1, $3  }
0x32: {  	_ =	sdelay $0x1  }
0x33: {  	[sflag:s10] =	ssyncset.done $0x0  }
0x34: {  	[sflag:s10] =	ssyncadd.s32 $0xFFFFE000  }
.LBB2_1:
0x35: {  	[dreg:$0x11] =	wrdreg s12  }
0x36: {  	s12 =	rddreg [dreg:$0x4]  }
0x37: {  	s11 =	simm.s32 @!p0 $0x1C11;
	s13 =	rddreg [dreg:$0x10]  }
0x38: {  	[spmem:s13], [sflag:s11] =	dma.local @!p0 [hbm:s12], $0x1F40  }
0x39: {  	s11 =	simm.s32 @!p0 $0x11  }
0x3a: {  	_ =	swait.ge @!p0 [sflag:s11], $0x1F40  }
0x3b: {  	s14 =	simm.s32 $0x11;
	[sflag:s11] =	ssyncset.done @!p0 $0x0  }
0x3c: {  	s13 =	rddreg [dreg:$0x6];
	[sflag:s11] =	ssyncadd.s32 @!p0 $0xFFFFE0C0;
	s11 =	simm.s32 $0x0  }
0x3d: {  	[tilespmem:s11], [sflag:$0x11] =	stream.linear.gather [hbm4b:s13+s11], $0x6400, $0x38;
	[tilespmem:$0x173A0] =	vst v63  }
0x3e: {  	_ =	swait.ge [sflag:s14], $0x6400  }
0x3f: {  	[sflag:s14] =	ssyncset.done $0x0  }
0x40: {  	[sflag:s14] =	ssyncadd.s32 $0xFFFF9C00  }
0x41: {  	[bflag:$0x0] =	sbarrier.arrive $0xFFFF  }
0x42: {  	[tilespmem:s18], [sflag:$0x1] =	stream.indirect.gather [spmem:s1], $0x40, s11, s17, $0xb8;
	[tilespmem:$0x173A0] =	vst v63  }
0x43: {  	_ = 	snop  }
0x44: {  	[tilespmem:s19], [sflag:$0x2] =	stream.indirect.gather [spmem:s1], $0x40, s17, s17, $0xb8;
	[tilespmem:$0x173A0] =	vst v63  }
0x45: {  	s12 =	simm.s32 $0x100  }
0x46: {  	[tilespmem:s21], [sflag:$0x3] =	stream.indirect.gather [spmem:s1], $0x40, s12, s17, $0xb8;
	[tilespmem:$0x173A0] =	vst v63  }
0x47: {  	s13 =	simm.s32 $0x180  }
0x48: {  	[tilespmem:s23], [sflag:$0x4] =	stream.indirect.gather [spmem:s1], $0x40, s13, s17, $0xb8;
	[tilespmem:$0x173A0] =	vst v63  }
0x49: {  	s14 =	simm.s32 $0x200  }
0x4a: {  	[tilespmem:s25], [sflag:$0x5] =	stream.indirect.gather [spmem:s1], $0x40, s14, s17, $0xb8;
	[tilespmem:$0x173A0] =	vst v63  }
0x4b: {  	s12 =	simm.s32 $0x280  }
0x4c: {  	[tilespmem:s28], [sflag:$0x6] =	stream.indirect.gather [spmem:s1], $0x40, s12, s17, $0xb8;
	[tilespmem:$0x173A0] =	vst v63  }
0x4d: {  	s13 =	simm.s32 $0x300  }
0x4e: {  	[tilespmem:s30], [sflag:$0x7] =	stream.indirect.gather [spmem:s1], $0x40, s13, s17, $0xb8;
	[tilespmem:$0x173A0] =	vst v63  }
0x4f: {  	s11 =	rddreg [dreg:$0x5];
	s14 =	simm.s32 $0x380;
	s12 =	simm.s32 $0x0  }
0x50: {  	[tilespmem:s0], [sflag:$0x8] =	stream.indirect.gather [spmem:s1], $0x40, s14, s17, $0xb8;
	[tilespmem:$0x173A0] =	vst v63  }
.LBB2_2:
0x51: {  	_ =	swait.ge [sflag:s20], $0x2000  }
0x52: {  	[sflag:s20] =	ssyncset.done $0x0;
	s13 =	rddreg [dreg:$0x8]  }
0x53: {  	[sflag:s20] =	ssyncadd.s32 $0xFFFFE000;
	s13 =	sadd.s32 s11, s13  }
0x54: {  	[hbm4b:s13+s22] =	stream.strided.scatter [tilespmem:s18], [sflag:$0x9], $0x2000, s17, s22, $0x38;
	[tilespmem:$0x173A0] =	vst v63  }
0x55: {  	_ =	swait.ge [sflag:s24], $0x2000  }
0x56: {  	[sflag:s24] =	ssyncset.done $0x0;
	s14 =	rddreg [dreg:$0xf]  }
0x57: {  	[sflag:s24] =	ssyncadd.s32 $0xFFFFE000;
	s13 =	sadd.s32 s11, s14  }
0x58: {  	[hbm4b:s13+s22] =	stream.strided.scatter [tilespmem:s19], [sflag:$0xA], $0x2000, s17, s22, $0x38;
	[tilespmem:$0x173A0] =	vst v63  }
0x59: {  	_ =	swait.ge [sflag:s26], $0x2000  }
0x5a: {  	[sflag:s26] =	ssyncset.done $0x0;
	s14 =	rddreg [dreg:$0xe]  }
0x5b: {  	[sflag:s26] =	ssyncadd.s32 $0xFFFFE000;
	s13 =	sadd.s32 s11, s14  }
0x5c: {  	[hbm4b:s13+s22] =	stream.strided.scatter [tilespmem:s21], [sflag:$0xB], $0x2000, s17, s22, $0x38;
	[tilespmem:$0x173A0] =	vst v63  }
0x5d: {  	_ =	swait.ge [sflag:s29], $0x2000  }
0x5e: {  	[sflag:s29] =	ssyncset.done $0x0;
	s14 =	rddreg [dreg:$0xd]  }
0x5f: {  	[sflag:s29] =	ssyncadd.s32 $0xFFFFE000;
	s13 =	sadd.s32 s11, s14  }
0x60: {  	[hbm4b:s13+s22] =	stream.strided.scatter [tilespmem:s23], [sflag:$0xC], $0x2000, s17, s22, $0x38;
	[tilespmem:$0x173A0] =	vst v63  }
0x61: {  	_ =	swait.ge [sflag:s31], $0x2000  }
0x62: {  	[sflag:s31] =	ssyncset.done $0x0;
	s14 =	rddreg [dreg:$0xc]  }
0x63: {  	[sflag:s31] =	ssyncadd.s32 $0xFFFFE000;
	s13 =	sadd.s32 s11, s14  }
0x64: {  	[hbm4b:s13+s22] =	stream.strided.scatter [tilespmem:s25], [sflag:$0xD], $0x2000, s17, s22, $0x38;
	[tilespmem:$0x173A0] =	vst v63  }
0x65: {  	_ =	swait.ge [sflag:s2], $0x2000  }
0x66: {  	[sflag:s2] =	ssyncset.done $0x0;
	s14 =	rddreg [dreg:$0xb]  }
0x67: {  	[sflag:s2] =	ssyncadd.s32 $0xFFFFE000;
	s13 =	sadd.s32 s11, s14  }
0x68: {  	[hbm4b:s13+s22] =	stream.strided.scatter [tilespmem:s28], [sflag:$0xE], $0x2000, s17, s22, $0x38;
	[tilespmem:$0x173A0] =	vst v63  }
0x69: {  	_ =	swait.ge [sflag:s3], $0x2000  }
0x6a: {  	[sflag:s3] =	ssyncset.done $0x0;
	s14 =	rddreg [dreg:$0xa]  }
0x6b: {  	[sflag:s3] =	ssyncadd.s32 $0xFFFFE000;
	s13 =	sadd.s32 s11, s14  }
0x6c: {  	[hbm4b:s13+s22] =	stream.strided.scatter [tilespmem:s30], [sflag:$0xF], $0x2000, s17, s22, $0x38;
	[tilespmem:$0x173A0] =	vst v63  }
0x6d: {  	_ =	swait.ge [sflag:s4], $0x2000  }
0x6e: {  	p1 =	seq.s32 s12, $0x18000;
	[sflag:s4] =	ssyncset.done $0x0;
	s14 =	rddreg [dreg:$0x9]  }
.Ltmp2:
0x6f: {  	[sflag:s4] =	ssyncadd.s32 $0xFFFFE000;
	s13 =	sadd.s32 s11, s14;
	(pc) =	sbr.rel @p1 .LBB2_4-.Ltmp2, $4  }
0x70: {  	[hbm4b:s13+s22] =	stream.strided.scatter [tilespmem:s0], [sflag:$0x10], $0x2000, s17, s22, $0x38;
	[tilespmem:$0x173A0] =	vst v63  }
0x71: {  	_ =	swait.ge [sflag:s5], $0x2000  }
0x72: {  	[sflag:s5] =	ssyncset.done $0x0  }
0x73: {  	[sflag:s5] =	ssyncadd.s32 $0xFFFFE000  }
0x74: {  	s13 =	sshra.s32 s12, $0x2  }
0x75: {  	s14 =	sadd.s32 $0x400, s13  }
0x76: {  	[tilespmem:s18], [sflag:$0x1] =	stream.indirect.gather [spmem:s1], $0x40, s14, s17, $0xb8;
	[tilespmem:$0x173A0] =	vst v63  }
0x77: {  	_ =	swait.ge [sflag:s6], $0x2000  }
0x78: {  	[sflag:s6] =	ssyncset.done $0x0  }
0x79: {  	s14 =	sadd.s32 $0x480, s13;
	[sflag:s6] =	ssyncadd.s32 $0xFFFFE000  }
0x7a: {  	[tilespmem:s19], [sflag:$0x2] =	stream.indirect.gather [spmem:s1], $0x40, s14, s17, $0xb8;
	[tilespmem:$0x173A0] =	vst v63  }
0x7b: {  	_ =	swait.ge [sflag:s15], $0x2000  }
0x7c: {  	[sflag:s15] =	ssyncset.done $0x0  }
0x7d: {  	s14 =	sadd.s32 $0x500, s13;
	[sflag:s15] =	ssyncadd.s32 $0xFFFFE000  }
0x7e: {  	[tilespmem:s21], [sflag:$0x3] =	stream.indirect.gather [spmem:s1], $0x40, s14, s17, $0xb8;
	[tilespmem:$0x173A0] =	vst v63  }
0x7f: {  	_ =	swait.ge [sflag:s16], $0x2000  }
0x80: {  	[sflag:s16] =	ssyncset.done $0x0  }
0x81: {  	s14 =	sadd.s32 $0x580, s13;
	[sflag:s16] =	ssyncadd.s32 $0xFFFFE000  }
0x82: {  	[tilespmem:s23], [sflag:$0x4] =	stream.indirect.gather [spmem:s1], $0x40, s14, s17, $0xb8;
	[tilespmem:$0x173A0] =	vst v63  }
0x83: {  	_ =	swait.ge [sflag:s7], $0x2000  }
0x84: {  	[sflag:s7] =	ssyncset.done $0x0  }
0x85: {  	s14 =	sadd.s32 $0x600, s13;
	[sflag:s7] =	ssyncadd.s32 $0xFFFFE000  }
0x86: {  	[tilespmem:s25], [sflag:$0x5] =	stream.indirect.gather [spmem:s1], $0x40, s14, s17, $0xb8;
	[tilespmem:$0x173A0] =	vst v63  }
0x87: {  	_ =	swait.ge [sflag:s8], $0x2000  }
0x88: {  	[sflag:s8] =	ssyncset.done $0x0  }
0x89: {  	s14 =	sadd.s32 $0x680, s13;
	[sflag:s8] =	ssyncadd.s32 $0xFFFFE000  }
0x8a: {  	[tilespmem:s28], [sflag:$0x6] =	stream.indirect.gather [spmem:s1], $0x40, s14, s17, $0xb8;
	[tilespmem:$0x173A0] =	vst v63  }
0x8b: {  	_ =	swait.ge [sflag:s9], $0x2000  }
0x8c: {  	[sflag:s9] =	ssyncset.done $0x0  }
0x8d: {  	s14 =	sadd.s32 $0x700, s13;
	[sflag:s9] =	ssyncadd.s32 $0xFFFFE000  }
0x8e: {  	[tilespmem:s30], [sflag:$0x7] =	stream.indirect.gather [spmem:s1], $0x40, s14, s17, $0xb8;
	[tilespmem:$0x173A0] =	vst v63  }
.Ltmp3:
0x8f: {  	_ = 	snop;
	(pc) =	sbr.rel .LBB2_2-.Ltmp3, $4  }
0x90: {  	_ =	swait.ge [sflag:s10], $0x2000  }
0x91: {  	s12 =	sadd.s32 $0x1000, s12;
	[sflag:s10] =	ssyncset.done $0x0  }
0x92: {  	s11 =	sadd.s32 $0x4000, s11;
	s13 =	sadd.s32 $0x780, s13;
	[sflag:s10] =	ssyncadd.s32 $0xFFFFE000  }
0x93: {  	[tilespmem:s0], [sflag:$0x8] =	stream.indirect.gather [spmem:s1], $0x40, s13, s17, $0xb8;
	[tilespmem:$0x173A0] =	vst v63  }
.LBB2_5:
0x94: {  	_ =	sfence.sel $0x180000  }
0x95: {  	[bflag:$0x0] =	sbarrier.arrive $0xFFFF  }
0x96: {  	_ =	strace $0x90000047  }
0x97: {  	[bflag:$0x2] =	sbarrier.arrive $0xFFFF  }
0x98: {  	s0 =	rddreg [dreg:$0x3]  }
0x99: {  	s0 =	sadd.s32 @!p0 $0x100000, s0  }
0x9a: {  	[sflag:s0] =	ssyncadd.tile.s32 @!p0 $0x1;
	_ =	shalt  }
.Lfunc_end2:
_tile_overlayer_lowered:
.L_overlay_start_2:
0x9b: {  	(tag) =	ssettag $0x2  }
0x9c: {  	s0 =	rddreg [dreg:$0x0];
	s2 =	stileid.u32  }
0x9d: {  	s1 =	rddreg [dreg:$0x1];
	p0 =	sne.s32 s2, $0x0  }
0x9e: {  	s3 =	rddreg [dreg:$0x2];
	[bflag:$0x3] =	sbarrier.arrive $0xFFFF;
	s2 =	simm.s32 @!p0 $0x1C11  }
0x9f: {  	[timem:s3], [sflag:s2] =	dma.local @!p0 [hbm:s0], s1  }
0xa0: {  	s0 =	simm.s32 @!p0 $0x11  }
0xa1: {  	_ =	swait.ge @!p0 [sflag:s0], s1  }
0xa2: {  	s1 =	ssub.s32 @!p0 $0x0, s1;
	[sflag:s0] =	ssyncset.done @!p0 $0x0  }
0xa3: {  	[sflag:s0] =	ssyncadd.s32 @!p0 s1  }
0xa4: {  	[bflag:$0x3] =	sbarrier.arrive $0xFFFF  }
0xa5: {  	_ =	shalt  }

// kernel: sparse-core-data-format-call.cloned.1.call-start
scs
called_computation_lowered:
.L_overlay_start_0:
0x0: {  	s2 =	sld [smem:$0x3FD9]  }
0x1: {  	s3 =	sld [smem:$0x3FFE];
	_ =	sdelay $0x1  }
0x2: {  	s1 =	srdreg.scid  }
0x3: {  	s0 =	sand.u32 $0x1, s1  }
0x4: {  	s18 =	sshll.u32 s0, $0xA;
	s2 =	sadd.s32 s3, s2  }
0x5: {  	s2 =	sadd.s32 s2, s18  }
0x6: {  	[smem:$0x3FC6] =	sst s2  }
0x7: {  	_ = 	snop  }
0x8: {  	s2 =	sld [smem:$0x3FD0];
	(tm) =	ssettm $0x1  }
0x9: {  	s19 =	sld [smem:$0x3FFB];
	_ =	sdelay $0x3  }
0xa: {  	_ =	strace s19  }
0xb: {  	s3 =	sld [smem:$0x3FFC];
	_ =	sdelay $0x3  }
0xc: {  	_ =	strace s3  }
0xd: {  	s3 =	sld [smem:$0x3FFD];
	_ =	sdelay $0x3  }
0xe: {  	_ =	strace s3  }
0xf: {  	_ =	strace $0x8FFFFFFF  }
0x10: {  	s20 =	sld [smem:$0x3FDB];
	_ =	sdelay $0x1  }
0x11: {  	s4 =	simm.s32 $_scs_section_size  }
0x12: {  	s5 =	simm.s32 $_size__tile_overlayer_lowered;
	s6 =	simm.s32 $_tile_overlayer_lowered  }
0x13: {  	s23 =	simm.s32 $0x1BFF;
	s22 =	sshll.u32 s6, $0x1;
	s3 =	sadd.s32 s4, s20  }
0x14: {  	s7 =	simm.s32 $0x0;
	s21 =	sshll.u32 s5, $0x1;
	s5 =	sadd.s32 s22, s3  }
0x15: {  	[timem:s7], [sflag:s23] =	dma.local [hbm:s5], s21  }
0x16: {  	_ =	swait.ge [sflag:s23], s21  }
0x17: {  	s4 =	ssub.s32 $0x0, s21;
	[sflag:s23] =	ssyncset.done $0x0  }
0x18: {  	[sflag:s23] =	ssyncadd.s32 s4;
	_ =	sdelay $0x1  }
0x19: {  	s24 =	simm.s32 $0x1B8B  }
0x1a: {  	_ =	swait.ge [sflag:s24], $0x1  }
0x1b: {  	[sflag:s24] =	ssyncset.done $0x0  }
0x1c: {  	s26 =	simm.s32 $0x1B8E;
	s25 =	sld [smem:$0x3FFE];
	[sflag:s24] =	ssyncadd.s32 $0xFFFFFFFF  }
0x1d: {  	s27 =	simm.s32 $execute0_lowered;
	[smem:$0x3FD2] =	sst s26  }
0x1e: {  	s5 =	sshll.u32 s27, $0x1;
	_ =	strace $0x80000049;
	[dreg:$0x1] =	wrdreg $0xFFFFFFFF  }
0x1f: {  	s28 =	simm.s32 $_size_execute0_lowered;
	s3 =	sadd.s32 s3, s5;
	[dreg:$0x0] =	wrdreg $0x0  }
0x20: {  	s5 =	sshll.u32 s28, $0x1;
	[dreg:$0x2] =	wrdreg s3  }
0x21: {  	[dreg:$0x3] =	wrdreg s5  }
0x22: {  	[dreg:$0x4] =	wrdreg $0xC0  }
0x23: {  	_ =	task [dreg:s7], $0x5FFFF  }
0x24: {  	[dreg:$0x1] =	wrdreg $0xFFFFFFFF  }
0x25: {  	[dreg:$0x0] =	wrdreg $0x60  }
0x26: {  	[dreg:$0x2] =	wrdreg s25  }
0x27: {  	[dreg:$0x3] =	wrdreg s2  }
0x28: {  	[dreg:$0x4] =	wrdreg $0x9  }
0x29: {  	_ =	task.clear_ibuf [dreg:s7], $0x5FFFF;
	_ =	strace $0x90000049  }
0x2a: {  	s29 =	simm.s32 $0x9;
	_ =	strace $0x8000004B  }
0x2b: {  	_ =	swait.ge [sflag:s29], $0x1  }
0x2c: {  	[sflag:s29] =	ssyncadd.s32 $0xFFFFFFFF  }
0x2d: {  	_ =	strace $0x9000004B  }
0x2e: {  	_ =	sfence  }
0x2f: {  	s30 =	sld [smem:$0x0];
	_ =	sdelay $0x2  }
0x30: {  	s31 =	sshll.u32 s1, $0xD;
	s1 =	sshrl.u32 s1, $0x2  }
0x31: {  	s3 =	sand.u32 $0x4000, s31;
	s1 =	sadd.s32 s1, s30  }
0x32: {  	s0 =	sor.u32 s3, s0;
	s1 =	sshll.u32 s1, $0x11  }
0x33: {  	s0 =	sor.u32 s1, s0  }
0x34: {  	s0 =	sadd.s32 $0x8F2B, s0  }
0x35: {  	[sflag:s0] =	ssyncadd.remote.s32 $0x1  }
0x36: {  	_ =	sfence.sel $0xFFFF  }
0x37: {  	[dreg:$0x0] =	wrdreg $0xFFFFFFFF;
	(pc) =	sbr.abs _section_cstart, $3  }
0x38: {  	[dreg:$0x1] =	wrdreg $0xFFFFFFFF  }
0x39: {  	_ =	task.clear_ibuf [dreg:s7], $0x2FFFF;
	_ =	strace $0x9FFFFFFF  }
0x3a: {  	(tm) =	ssettm $0x7FFFFFFF  }
0x3b: {  	_ =	shalt  }
tec
execute0_lowered:
.L_overlay_start_1:
0x0: {  	(tag) =	ssettag $0x1  }
0x1: {  	s0 =	srdreg.scid  }
0x2: {  	s1 =	sshll.u32 s0, $0x4  }
0x3: {  	s0 =	stileid.u32;
	s1 =	sand.u32 $0x10, s1  }
0x4: {  	s1 =	sor.u32 s0, s1  }
0x5: {  	s6 =	rddreg [dreg:$0x0];
	s4 =	simm.s32 $0x1;
	s2 =	sshll.u32 s1, $0x7  }
0x6: {  	s7 =	simm.s32 $0x2;
	s12 =	simm.s32 $0x0;
	s1 =	ssub.s32 $0x1000, s2  }
0x7: {  	s8 =	simm.s32 $0x8000;
	s13 =	simm.s32 $0x0;
	s3 =	sand.u32 $0xF80, s1  }
0x8: {  	s9 =	simm.s32 $0x0;
	s5 =	sshrl.u32 s1, $0xC;
	p0 =	sne.s32 s3, $0x0  }
.Ltmp0:
0x9: {  	s1 =	rddreg [dreg:$0x2];
	s4 =	simm.s32 @!p0 $0x0;
	(pc) =	sbr.rel .LBB1_1-.Ltmp0, $4  }
0xa: {  	s11 =	simm.s32 $0x0;
	s3 =	rddreg [dreg:$0x1];
	s5 =	sadd.s32 s4, s5  }
0xb: {  	_ =	strace $0x8000004A;
	s4 =	simm.s32 $0x1;
	s5 =	smul.u32 $0xC8, s5  }
0xc: {  	s6 =	sadd.s32 $0x2800, s6;
	s10 =	smov.u32 s2;
	[sflag:s4] =	ssyncpa.u1 $0x0  }
0xd: {  	p0 =	por $0x0, $0x0;
	[sflag:s7] =	ssyncpa.u1 $0x0;
	s7 =	sor.u32 $0x1, s5  }
.LBB1_4:
0xe: {  	s16 =	sshll.u32 s13, $0x3;
	s17 =	sand.u32 $0x78, s13  }
0xf: {  	s30 =	sand.u32 $0x7E00, s13;
	s12 =	sshll.u32 s12, $0xF;
	s16 =	sand.u32 $0xC00, s16  }
0x10: {  	[tilespmem:s15+$0x810 ss:$0x81] =	vst.msk $0xffff, v2;
	s31 =	sand.u32 $0x7, s13;
	s16 =	sor.u32 s17, s16;
	s17 =	sadd.s32 s3, s30  }
0x11: {  	[tilespmem:s15+$0x1020 ss:$0x81] =	vst.msk $0xffff, v0;
	s13 =	sshll.u32 s31, $0x12;
	s12 =	sadd.s32 s12, s17;
	s16 =	sshrl.u32 s16, $0x3  }
0x12: {  	[tilespmem:s15+$0x0 ss:$0x81] =	vst.msk $0xffff, v1;
	s13 =	sor.u32 $0x400, s13;
	s12 =	sadd.s32 s16, s12  }
0x13: {  	[hbm4b:s12+s13] =	stream.strided.scatter [tilespmem:s14], [sflag:$0x2], $0x2000, s8, s13, $0x20;
	[tilespmem:$0x8080] =	vst v63  }
.LBB1_5:
0x14: {  	s14 =	sadd.s32 $0x1, s9  }
0x15: {  	s12 =	sadd.s32 $0x1000, s10;
	s16 =	smov.u32 s10;
	p2 =	sgt.s32 s14, $0xC7  }
0x16: {  	s16 =	smov.u32 @p2 s12  }
0x17: {  	s14 =	simm.s32 @p2 $0x0;
	p2 =	sgt.s32 s16, $0xFFF  }
0x18: {  	s16 =	smov.u32 @p2 s2;
	p2 =	sne.s32 s11, s7  }
.Ltmp1:
0x19: {  	p1 =	slt.u32 s11, $0x2;
	(pc) =	sbr.rel @!p2 .LBB1_6-.Ltmp1, $4  }
0x1a: {  	s15 =	simm.s32 @!p1 $0x2  }
0x1b: {  	s13 =	smov.u32 s10;
	p0 =	por !p0, !p0;
	_ =	swait.ge @!p1 [sflag:s15], $0x2000  }
0x1c: {  	s12 =	smov.u32 s9;
	[sflag:s15] =	ssyncset.done @!p1 $0x0;
	s9 =	smov.u32 s14  }
0x1d: {  	s11 =	sadd.s32 $0x1, s11;
	[sflag:s15] =	ssyncadd.s32 @!p1 $0xFFFFE000;
	s10 =	smov.u32 s16  }
.LBB1_1:
0x1e: {  	p1 =	sge.u32 s11, s5  }
0x1f: {  	s14 =	sand.u32 @!p1 $0x1FFFFFF, s9  }
0x20: {  	s15 =	smulhi.u32 @!p1 $0x147AE15, s14;
	_ =	sdelay $0x1  }
0x21: {  	s15 =	smul.u32 @!p1 $0xC8, s15  }
0x22: {  	s16 =	sxor.u32 @!p1 $0xFFFFFFFF, s11;
	s17 =	smul.u32 @!p1 $0xC80, s10  }
0x23: {  	s31 =	sadd.s32 $0xFFFFFFFF, s11;
	s16 =	sshll.u32 @!p1 s16, $0xD;
	s14 =	ssub.s32 @!p1 s14, s15  }
0x24: {  	s15 =	sand.u32 @!p1 $0x2000, s16;
	s16 =	sadd.s32 @!p1 s6, s17;
	s14 =	sshll.u32 @!p1 s14, $0x4  }
0x25: {  	s17 =	simm.s32 @!p1 $0x6400;
	s14 =	sadd.s32 @!p1 s14, s16;
	s16 =	simm.s32 @!p1 $0x40  }
0x26: {  	[tilespmem:s15], [sflag:$0x1] =	stream.strided.gather @!p1 [hbm4b:s14+s16], $0x2000, s17, s16, $0x38;
	[tilespmem:$0x8080] =	vst v63  }
0x27: {  	p1 =	sge.u32 s31, s5  }
.Ltmp2:
0x28: {  	_ = 	snop;
	(pc) =	sbr.rel @p1 .LBB1_5-.Ltmp2, $1  }
0x29: {  	_ =	sdelay $0x3  }
0x2a: {  	s14 =	simm.s32 $0x1  }
0x2b: {  	_ =	swait.ge [sflag:s4], $0x2000;
	s14 =	simm.s32 @!p0 $0x0  }
0x2c: {  	[sflag:s4] =	ssyncset.done $0x0;
	s15 =	sshll.u32 s14, $0xD  }
0x2d: {  	[sflag:s4] =	ssyncadd.s32 $0xFFFFE000;
	s18 =	sor.u32 $0x20, s15  }
0x2e: {  	s14 =	smul.u32 $0x8100, s14;
	v3 =	vld [tilespmem:s18+$0x10]  }
0x2f: {  	s30 =	sand.u32 $0x1, s11;
	v2 =	vld [tilespmem:s18+$0xFFFFFFF0]  }
0x30: {  	s15 =	smul.u32 $0x8100, s30;
	s14 =	sshrl.u32 s14, $0x2;
	v0 =	vld [tilespmem:s18+$0x0]  }
0x31: {  	v1 =	vld [tilespmem:s18+$0xFFFFFFE0];
	s16 =	sor.u32 $0x4000, s14  }
0x32: {  	s31 =	sshrl.u32 s15, $0x2;
	s15 =	sadd.s32 $0x0, s16  }
0x33: {  	s17 =	simm.s32 $0x4;
	s18 =	sadd.s32 $0x40, s18;
	s14 =	sor.u32 $0x4000, s31;
	[tilespmem:s15+$0x1830 ss:$0x81] =	vst.msk $0xffff, v3  }
.LBB1_3:
0x34: {  	v3 =	vld [tilespmem:s18+$0x10];
	p1 =	sne.s32 s17, $0x1FC;
	[tilespmem:s15+$0x810 ss:$0x81] =	vst.msk $0xffff, v2;
	s19 =	smov.u32 s17;
	s17 =	sadd.s32 $0x4, s17  }
.Ltmp3:
0x35: {  	v2 =	vld [tilespmem:s18+$0xFFFFFFF0];
	[tilespmem:s15+$0x1020 ss:$0x81] =	vst.msk $0xffff, v0;
	(pc) =	sbr.rel @p1 .LBB1_3-.Ltmp3, $4  }
0x36: {  	v0 =	vld [tilespmem:s18+$0x0];
	[tilespmem:s15+$0x0 ss:$0x81] =	vst.msk $0xffff, v1  }
0x37: {  	s15 =	sshra.s32 s19, $0x2;
	v1 =	vld [tilespmem:s18+$0xFFFFFFE0]  }
0x38: {  	s15 =	sadd.s32 s15, s16  }
0x39: {  	s18 =	sadd.s32 $0x40, s18;
	[tilespmem:s15+$0x1830 ss:$0x81] =	vst.msk $0xffff, v3  }
.Ltmp4:
0x3a: {  	_ = 	snop;
	(pc) =	sbr.rel .LBB1_4-.Ltmp4, $1  }
0x3b: {  	_ =	sdelay $0x3  }
.LBB1_6:
0x3c: {  	_ =	sfence.sel $0x180000  }
0x3d: {  	s2 =	simm.s32 $0x1;
	[bflag:$0x0] =	sbarrier.arrive $0xFFFF  }
0x3e: {  	s31 =	simm.s32 $0x2;
	[sflag:s2] =	ssyncpa.u1 $0x1  }
0x3f: {  	[sflag:s31] =	ssyncpa.u1 $0x1  }
0x40: {  	p0 =	sne.s32 s0, $0x0;
	_ =	strace $0x9000004A  }
0x41: {  	s0 =	sadd.s32 @!p0 $0x100000, s1;
	[bflag:$0x2] =	sbarrier.arrive $0xFFFF  }
0x42: {  	[sflag:s0] =	ssyncadd.tile.s32 @!p0 $0x1;
	_ =	shalt  }
.Lfunc_end1:
_tile_overlayer_lowered:
.L_overlay_start_2:
0x43: {  	(tag) =	ssettag $0x2  }
0x44: {  	s0 =	rddreg [dreg:$0x0];
	s2 =	stileid.u32  }
0x45: {  	s1 =	rddreg [dreg:$0x1];
	p0 =	sne.s32 s2, $0x0  }
0x46: {  	s3 =	rddreg [dreg:$0x2];
	[bflag:$0x3] =	sbarrier.arrive $0xFFFF;
	s2 =	simm.s32 @!p0 $0x1C01  }
0x47: {  	[timem:s3], [sflag:s2] =	dma.local @!p0 [hbm:s0], s1  }
0x48: {  	s0 =	simm.s32 @!p0 $0x1  }
0x49: {  	_ =	swait.ge @!p0 [sflag:s0], s1  }
0x4a: {  	s1 =	ssub.s32 @!p0 $0x0, s1;
	[sflag:s0] =	ssyncset.done @!p0 $0x0  }
0x4b: {  	[sflag:s0] =	ssyncadd.s32 @!p0 s1  }
0x4c: {  	[bflag:$0x3] =	sbarrier.arrive $0xFFFF  }
0x4d: {  	_ =	shalt  }

</sc_bundles>
